<compile_context>
chip_gen: v7x
topology: tpu7x:2x2x1
jax: 0.10.2.dev20260603
libtpu: 0.0.44.dev20260713+nightly
codegen_flags: <defaults>
</compile_context>

<pallas_src>
import functools

import jax
import jax.numpy as jnp
from jax import lax
from jax.experimental import pallas as pl
from jax.experimental.pallas import tpu as pltpu
from jax.experimental.pallas import tpu_sc as plsc

N_IN = 2048
D_IN = 64
D_HID = 256
N_OUT = 10000
ROWS = 1000

SC_CORES = 2
SC_TILES = 16
N_PAD = 10240
E_RAW = 320000 + N_OUT
EROWS = 162
E_PAD = SC_TILES * EROWS * 128
PAD_DST = N_OUT + 16


def _leaky(v):
    return jnp.where(v >= 0, v, 0.2 * v)


def _style_body(s1, s2, w11, w12, w13, w14, b11, b12, b13, b14,
                w21, w22, w23, w24, b21, b22, b23, b24,
                w31, w32, w33, w34, b31, b32, b33, b34,
                ga1, bb1, ga2, bb2, ga3, bb3):
    def mm(s, w):
        return lax.dot_general(s[...], w[...], (((1,), (1,)), ((), ())),
                               preferred_element_type=jnp.float32)
    ga1[...] = 0.5 * (mm(s1, w11) + b11[...]) + 0.5 * (mm(s2, w13) + b13[...])
    bb1[...] = 0.5 * (mm(s1, w12) + b12[...]) + 0.5 * (mm(s2, w14) + b14[...])
    ga2[...] = 0.5 * (mm(s1, w21) + b21[...]) + 0.5 * (mm(s2, w23) + b23[...])
    bb2[...] = 0.5 * (mm(s1, w22) + b22[...]) + 0.5 * (mm(s2, w24) + b24[...])
    ga3[...] = 0.5 * (mm(s1, w31) + b31[...]) + 0.5 * (mm(s2, w33) + b33[...])
    bb3[...] = 0.5 * (mm(s1, w32) + b32[...]) + 0.5 * (mm(s2, w34) + b34[...])


def _styles(s1, s2, p):
    args = [s1, s2]
    for tag in ('a1', 'a2', 'a3'):
        args += [p[tag + '_W1'], p[tag + '_W2'], p[tag + '_W3'], p[tag + '_W4'],
                 p[tag + '_b1'].reshape(1, -1), p[tag + '_b2'].reshape(1, -1),
                 p[tag + '_b3'].reshape(1, -1), p[tag + '_b4'].reshape(1, -1)]
    outs = [jax.ShapeDtypeStruct((1, 64), jnp.float32),
            jax.ShapeDtypeStruct((1, 64), jnp.float32),
            jax.ShapeDtypeStruct((1, 256), jnp.float32),
            jax.ShapeDtypeStruct((1, 256), jnp.float32),
            jax.ShapeDtypeStruct((1, 64), jnp.float32),
            jax.ShapeDtypeStruct((1, 64), jnp.float32)]
    return pl.pallas_call(_style_body, out_shape=outs)(*args)


def _stage1_body(w_ref, x_ref, trsb_ref, g_ref, b_ref, ga_ref, bb_ref,
                 fw_ref, fb_ref, u_ref, sums_ref):
    i = pl.program_id(0)
    t = lax.dot_general(w_ref[...], x_ref[...], (((1,), (0,)), ((), ())),
                        preferred_element_type=jnp.float32)
    t = t + trsb_ref[...]
    mu = jnp.mean(t, axis=1, keepdims=True)
    xc = t - mu
    var = jnp.mean(xc * xc, axis=1, keepdims=True)
    t = xc * lax.rsqrt(var + 1e-5) * g_ref[...] + b_ref[...]
    t = _leaky(t)
    m2 = jnp.mean(t, axis=1, keepdims=True)
    c2 = t - m2
    std = jnp.sqrt(jnp.sum(c2 * c2, axis=1, keepdims=True) * (1.0 / (D_IN - 1)))
    h = ga_ref[...] * (c2 / (std + 1e-8)) + bb_ref[...]
    u = lax.dot_general(h, fw_ref[...], (((1,), (1,)), ((), ())),
                        preferred_element_type=jnp.float32)
    u = u + fb_ref[...]
    u_ref[...] = u

    @pl.when(i == 0)
    def _():
        sums_ref[...] = jnp.zeros_like(sums_ref)
    sums_ref[0:1, :] += jnp.sum(u, axis=0, keepdims=True)
    sums_ref[1:2, :] += jnp.sum(u * u, axis=0, keepdims=True)


def _stage1(x, p, ga1, bb1):
    nblk = N_OUT // ROWS
    u, sums = pl.pallas_call(
        _stage1_body,
        grid=(nblk,),
        in_specs=[
            pl.BlockSpec((ROWS, N_IN), lambda i: (i, 0)),
            pl.BlockSpec((N_IN, D_IN), lambda i: (0, 0)),
            pl.BlockSpec((ROWS, 1), lambda i: (i, 0)),
            pl.BlockSpec((ROWS, 1), lambda i: (i, 0)),
            pl.BlockSpec((ROWS, 1), lambda i: (i, 0)),
            pl.BlockSpec((1, 64), lambda i: (0, 0)),
            pl.BlockSpec((1, 64), lambda i: (0, 0)),
            pl.BlockSpec((D_HID, D_IN), lambda i: (0, 0)),
            pl.BlockSpec((1, D_HID), lambda i: (0, 0)),
        ],
        out_specs=[
            pl.BlockSpec((ROWS, D_HID), lambda i: (i, 0)),
            pl.BlockSpec((8, D_HID), lambda i: (0, 0)),
        ],
        out_shape=[
            jax.ShapeDtypeStruct((N_OUT, D_HID), jnp.float32),
            jax.ShapeDtypeStruct((8, D_HID), jnp.float32),
        ],
    )(p['trs_W'], x, p['trs_b'].reshape(-1, 1), p['bn2_g'].reshape(-1, 1),
      p['bn2_b'].reshape(-1, 1), ga1, bb1, p['fc1_W'],
      p['fc1_b'].reshape(1, -1))
    return u, sums


def _stage2_body(u_ref, sums_ref, g_ref, b_ref, ga_ref, bb_ref, gw_ref,
                 av_ref, xl_ref, aa_ref):
    u = u_ref[...]
    s = sums_ref[...]
    mu = s[0:1, :] * (1.0 / N_OUT)
    ex2 = s[1:2, :] * (1.0 / N_OUT)
    var = ex2 - mu * mu
    h = (u - mu) * lax.rsqrt(var + 1e-5) * g_ref[...] + b_ref[...]
    h = _leaky(h)
    m = jnp.mean(h, axis=1, keepdims=True)
    c = h - m
    std = jnp.sqrt(jnp.sum(c * c, axis=1, keepdims=True) * (1.0 / (D_HID - 1)))
    h2 = ga_ref[...] * (c / (std + 1e-8)) + bb_ref[...]
    xl = lax.dot_general(h2, gw_ref[...], (((1,), (1,)), ((), ())),
                         preferred_element_type=jnp.float32)
    xl_ref[...] = xl
    aa_ref[...] = jnp.dot(xl, av_ref[...], preferred_element_type=jnp.float32)


def _stage2(u, sums, p, ga2, bb2):
    nblk = N_OUT // ROWS
    av = jnp.stack([p['gat_asrc'], p['gat_adst']], axis=1)
    xl, aa = pl.pallas_call(
        _stage2_body,
        grid=(nblk,),
        in_specs=[
            pl.BlockSpec((ROWS, D_HID), lambda i: (i, 0)),
            pl.BlockSpec((8, D_HID), lambda i: (0, 0)),
            pl.BlockSpec((1, D_HID), lambda i: (0, 0)),
            pl.BlockSpec((1, D_HID), lambda i: (0, 0)),
            pl.BlockSpec((1, D_HID), lambda i: (0, 0)),
            pl.BlockSpec((1, D_HID), lambda i: (0, 0)),
            pl.BlockSpec((D_IN, D_HID), lambda i: (0, 0)),
            pl.BlockSpec((D_IN, 2), lambda i: (0, 0)),
        ],
        out_specs=[
            pl.BlockSpec((ROWS, D_IN), lambda i: (i, 0)),
            pl.BlockSpec((ROWS, 2), lambda i: (i, 0)),
        ],
        out_shape=[
            jax.ShapeDtypeStruct((N_OUT, D_IN), jnp.float32),
            jax.ShapeDtypeStruct((N_OUT, 2), jnp.float32),
        ],
    )(u, sums, p['bn1_g'].reshape(1, -1), p['bn1_b'].reshape(1, -1),
      ga2, bb2, p['gat_W'], av)
    return xl, aa


def _edge1_body(edgeb, asrcp, adstp, wout, denout,
                pk_v, dst_v, w_v, asrc_v, adst_v, den_v, den_sh, sem):
    s = lax.axis_index("s")
    nslice = N_PAD // SC_TILES
    pltpu.sync_copy(edgeb.at[s], pk_v)
    pltpu.sync_copy(asrcp, asrc_v)
    pltpu.sync_copy(adstp, adst_v)

    zv = jnp.zeros((16,), jnp.float32)

    def zrow(j, carry):
        den_v[pl.ds(j * 16, 16)] = zv
        return carry
    lax.fori_loop(0, N_PAD // 16, zrow, 0)
    pltpu.sync_copy(den_v.at[pl.ds(s * nslice, nslice)],
                    den_sh.at[pl.ds(s * nslice, nslice)])

    def p1(j, carry):
        def p1c(k, carry2):
            sl = pl.ds(k * 16, 16)
            v = pk_v[j, sl]
            si = v & 16383
            di = lax.shift_right_logical(v, 14)
            dst_v[j, sl] = di
            e = plsc.load_gather(asrc_v, [si]) + plsc.load_gather(adst_v, [di])
            e = jnp.where(e >= 0, e, 0.2 * e)
            w_v[j, sl] = jnp.exp(e)
            return carry2
        return lax.fori_loop(0, 8, p1c, carry)
    lax.fori_loop(0, EROWS, p1, 0)
    plsc.subcore_barrier()

    def p2(j, carry):
        pltpu.sync_copy(w_v.at[j], den_sh.at[dst_v.at[j]], add=True)
        return carry
    lax.fori_loop(0, EROWS, p2, 0)
    plsc.subcore_barrier()
    pltpu.sync_copy(w_v, wout.at[s])
    pltpu.sync_copy(den_sh.at[pl.ds(s * nslice, nslice)],
                    denout.at[pl.ds(s * nslice, nslice)])


def _edge2_body(edgeb, wh, denh, xlh, out2,
                pk_v, w_v, den_v, rowsA, rowsB, scA, scB, siA, siB,
                diA, diB, out_sh, semA, semB, semSA, semSB):
    s = lax.axis_index("s")
    nslice = N_PAD // SC_TILES
    pltpu.sync_copy(edgeb.at[s], pk_v)
    pltpu.sync_copy(wh.at[s], w_v)
    pltpu.sync_copy(denh, den_v)

    zv = jnp.zeros((16,), jnp.float32)

    def zrow(j, carry):
        for c4 in range(4):
            scA[j, pl.ds(c4 * 16, 16)] = zv
        return carry
    lax.fori_loop(0, 128, zrow, 0)

    def zout(j, carry):
        pltpu.sync_copy(scA, out_sh.at[pl.ds(s * nslice + j * 128, 128)])
        return carry
    lax.fori_loop(0, nslice // 128, zout, 0)
    plsc.subcore_barrier()

    lanes = lax.iota(jnp.int32, 16)

    def fill_si(j, si_b):
        def fs(k, carry):
            sl = pl.ds(k * 16, 16)
            si_b[sl] = pk_v[j, sl] & 16383
            return carry
        lax.fori_loop(0, 8, fs, 0)

    def compute(j, rows_x, sc_x, di_x, sem_s, do_wait):
        @pl.when(do_wait)
        def _():
            pltpu.make_async_copy(sc_x, out_sh.at[di_x], sem_s).wait()
        for k in range(8):
            sl = pl.ds(k * 16, 16)
            v = pk_v[j, sl]
            di = lax.shift_right_logical(v, 14)
            di_x[sl] = di
            dg = plsc.load_gather(den_v, [di])
            al = w_v[j, sl] / dg
            ridx = lanes + (k * 16)

            def col_body(cc, carry):
                cidx = jnp.full((16,), cc, jnp.int32)
                col = plsc.load_gather(rows_x, [ridx, cidx])
                plsc.store_scatter(sc_x, [ridx, cidx], col * al)
                return carry
            lax.fori_loop(0, 64, col_body, 0)
        pltpu.async_copy(sc_x, out_sh.at[di_x], sem_s, add=True)

    fill_si(0, siA)
    pltpu.async_copy(xlh.at[siA], rowsA, semA)

    def body(t, carry):
        j0 = 2 * t
        fill_si(j0 + 1, siB)
        pltpu.async_copy(xlh.at[siB], rowsB, semB)
        pltpu.make_async_copy(xlh.at[siA], rowsA, semA).wait()
        compute(j0, rowsA, scA, diA, semSA, t > 0)

        @pl.when(t < (EROWS // 2 - 1))
        def _():
            fill_si(j0 + 2, siA)
            pltpu.async_copy(xlh.at[siA], rowsA, semA)
        pltpu.make_async_copy(xlh.at[siB], rowsB, semB).wait()
        compute(j0 + 1, rowsB, scB, diB, semSB, t > 0)
        return carry

    lax.fori_loop(0, EROWS // 2, body, 0)
    pltpu.make_async_copy(scA, out_sh.at[diA], semSA).wait()
    pltpu.make_async_copy(scB, out_sh.at[diB], semSB).wait()
    plsc.subcore_barrier()
    pltpu.sync_copy(out_sh.at[pl.ds(s * nslice, nslice)],
                    out2.at[pl.ds(s * nslice, nslice)])


@jax.jit
def _edge_call(edgeb, asrcp, adstp, xl):
    mesh1 = plsc.VectorSubcoreMesh(core_axis_name="c", subcore_axis_name="s",
                                   num_cores=1)
    f1 = pl.kernel(
        _edge1_body,
        out_type=[
            jax.ShapeDtypeStruct((SC_TILES, EROWS, 128), jnp.float32),
            jax.ShapeDtypeStruct((N_PAD,), jnp.float32),
        ],
        mesh=mesh1,
        compiler_params=pltpu.CompilerParams(needs_layout_passes=False,
                                             use_tc_tiling_on_sc=False),
        scratch_types=[
            pltpu.VMEM((EROWS, 128), jnp.int32),
            pltpu.VMEM((EROWS, 128), jnp.int32),
            pltpu.VMEM((EROWS, 128), jnp.float32),
            pltpu.VMEM((N_PAD,), jnp.float32),
            pltpu.VMEM((N_PAD,), jnp.float32),
            pltpu.VMEM((N_PAD,), jnp.float32),
            pltpu.VMEM_SHARED((N_PAD,), jnp.float32),
            pltpu.SemaphoreType.DMA,
        ],
    )
    w, den = f1(edgeb, asrcp, adstp)
    mesh2 = plsc.VectorSubcoreMesh(core_axis_name="c", subcore_axis_name="s",
                                   num_cores=1)
    f2 = pl.kernel(
        _edge2_body,
        out_type=jax.ShapeDtypeStruct((N_PAD, D_IN), jnp.float32),
        mesh=mesh2,
        compiler_params=pltpu.CompilerParams(needs_layout_passes=False,
                                             use_tc_tiling_on_sc=False),
        scratch_types=[
            pltpu.VMEM((EROWS, 128), jnp.int32),
            pltpu.VMEM((EROWS, 128), jnp.float32),
            pltpu.VMEM((N_PAD,), jnp.float32),
            pltpu.VMEM((128, D_IN), jnp.float32),
            pltpu.VMEM((128, D_IN), jnp.float32),
            pltpu.VMEM((128, D_IN), jnp.float32),
            pltpu.VMEM((128, D_IN), jnp.float32),
            pltpu.VMEM((128,), jnp.int32),
            pltpu.VMEM((128,), jnp.int32),
            pltpu.VMEM((128,), jnp.int32),
            pltpu.VMEM((128,), jnp.int32),
            pltpu.VMEM_SHARED((N_PAD, D_IN), jnp.float32),
            pltpu.SemaphoreType.DMA,
            pltpu.SemaphoreType.DMA,
            pltpu.SemaphoreType.DMA,
            pltpu.SemaphoreType.DMA,
        ],
    )
    return f2(edgeb, w, den, xl)


def _gat_edges(xl, aa, edge_index):
    loops = jnp.arange(N_OUT, dtype=jnp.int32)
    pad = E_PAD - E_RAW
    src = jnp.concatenate([edge_index[0].astype(jnp.int32), loops,
                           jnp.zeros((pad,), jnp.int32)])
    dst = jnp.concatenate([edge_index[1].astype(jnp.int32), loops,
                           jnp.full((pad,), PAD_DST, jnp.int32)])
    edgeb = (src | (dst << 14)).reshape(SC_TILES, EROWS, 128)
    asrcp = jnp.pad(aa[:, 0], (0, N_PAD - N_OUT))
    adstp = jnp.pad(aa[:, 1], (0, N_PAD - N_OUT))
    out2 = _edge_call(edgeb, asrcp, adstp, xl)
    return out2[:N_OUT]


def _final_body(o0_ref, gb_ref, ga_ref, bb_ref, out_ref):
    z = o0_ref[...] + gb_ref[...]
    z = _leaky(z)
    m = jnp.mean(z, axis=1, keepdims=True)
    c = z - m
    std = jnp.sqrt(jnp.sum(c * c, axis=1, keepdims=True) * (1.0 / (D_IN - 1)))
    out_ref[...] = ga_ref[...] * (c / (std + 1e-8)) + bb_ref[...]


def _final(o0, p, ga3, bb3):
    nblk = N_OUT // ROWS
    return pl.pallas_call(
        _final_body,
        grid=(nblk,),
        in_specs=[
            pl.BlockSpec((ROWS, D_IN), lambda i: (i, 0)),
            pl.BlockSpec((1, D_IN), lambda i: (0, 0)),
            pl.BlockSpec((1, D_IN), lambda i: (0, 0)),
            pl.BlockSpec((1, D_IN), lambda i: (0, 0)),
        ],
        out_specs=pl.BlockSpec((ROWS, D_IN), lambda i: (i, 0)),
        out_shape=jax.ShapeDtypeStruct((N_OUT, D_IN), jnp.float32),
    )(o0, p['gat_b'].reshape(1, -1), ga3, bb3)


def kernel(x, edge_index, style1, style2, params):
    p = params
    ga1, bb1, ga2, bb2, ga3, bb3 = _styles(style1, style2, p)
    u, sums = _stage1(x, p, ga1, bb1)
    xl, aa = _stage2(u, sums, p, ga2, bb2)
    o0 = _gat_edges(xl, aa, edge_index)
    return _final(o0, p, ga3, bb3)

# --- scband reference (transcript-rebuilt; emitter-appended) ---
"""Pipeline reference for scband-cycler-90555090469566 (READ-ONLY COPY).

The authoritative reference and input builder live on the scoring server;
editing this copy changes nothing except your own understanding.
"""

import jax, jax.numpy as jnp
import numpy as np

INPUT_NUM = 2048
INPUT_DIM = 64
HIDDEN_DIM = 256
OUT_NUM = 10000
N_EDGES = 320000


def setup_inputs(seed: int = 0):
    key = jax.random.key(seed)
    ks = jax.random.split(key, 64)
    idx = iter(range(64))

    def rn(shape, scale=0.05):
        return (jax.random.normal(ks[next(idx)], shape) * scale).astype(jnp.float32)

    x = rn((INPUT_NUM, INPUT_DIM), 1.0)
    edge_index = jax.random.randint(ks[next(idx)], (2, N_EDGES), 0, OUT_NUM, dtype=jnp.int32)
    style1 = rn((1, 512), 1.0)
    style2 = rn((1, 64), 1.0)

    params = {}
    params['trs_W'] = rn((OUT_NUM, INPUT_NUM), 0.02)
    params['trs_b'] = jnp.zeros((OUT_NUM,), jnp.float32)
    params['bn2_g'] = jnp.ones((OUT_NUM,), jnp.float32)
    params['bn2_b'] = jnp.zeros((OUT_NUM,), jnp.float32)
    params['fc1_W'] = rn((HIDDEN_DIM, INPUT_DIM), 0.1)
    params['fc1_b'] = jnp.zeros((HIDDEN_DIM,), jnp.float32)
    params['bn1_g'] = jnp.ones((HIDDEN_DIM,), jnp.float32)
    params['bn1_b'] = jnp.zeros((HIDDEN_DIM,), jnp.float32)
    params['gat_W'] = rn((INPUT_DIM, HIDDEN_DIM), 0.05)
    params['gat_asrc'] = rn((INPUT_DIM,), 0.1)
    params['gat_adst'] = rn((INPUT_DIM,), 0.1)
    params['gat_b'] = jnp.zeros((INPUT_DIM,), jnp.float32)
    for tag, dim, sd1, sd2 in [('a1', 64, 512, 64), ('a2', 256, 512, 64), ('a3', 64, 512, 64)]:
        params[tag + '_W1'] = rn((dim, sd1), 0.05)
        params[tag + '_b1'] = jnp.zeros((dim,), jnp.float32)
        params[tag + '_W2'] = rn((dim, sd1), 0.05)
        params[tag + '_b2'] = jnp.zeros((dim,), jnp.float32)
        params[tag + '_W3'] = rn((dim, sd2), 0.05)
        params[tag + '_b3'] = jnp.zeros((dim,), jnp.float32)
        params[tag + '_W4'] = rn((dim, sd2), 0.05)
        params[tag + '_b4'] = jnp.zeros((dim,), jnp.float32)

    return {'x': x, 'edge_index': edge_index, 'style1': style1, 'style2': style2, 'params': params}


def _leaky(v, s=0.2):
    return jnp.where(v >= 0, v, s * v)


def _adain(x, s1, s2, p, tag):
    d = x.shape[1]
    mean = jnp.mean(x, axis=1, keepdims=True)
    std = jnp.std(x, axis=1, ddof=1, keepdims=True)
    g1 = (s1 @ p[tag + '_W1'].T + p[tag + '_b1']).reshape(-1, d)
    be1 = (s1 @ p[tag + '_W2'].T + p[tag + '_b2']).reshape(-1, d)
    g2 = (s2 @ p[tag + '_W3'].T + p[tag + '_b3']).reshape(-1, d)
    be2 = (s2 @ p[tag + '_W4'].T + p[tag + '_b4']).reshape(-1, d)
    xn = (x - mean) / (std + 1e-08)
    return (0.5 * g1 + 0.5 * g2) * xn + (0.5 * be1 + 0.5 * be2)


def _gat(x, edge_index, p):
    # PyG GATConv defaults: heads=1, concat=True, negative_slope=0.2, add_self_loops=True, bias=True
    N = x.shape[0]
    xl = x @ p['gat_W'].T
    asrc = xl @ p['gat_asrc']
    adst = xl @ p['gat_adst']
    loops = jnp.arange(N, dtype=edge_index.dtype)
    src = jnp.concatenate([edge_index[0], loops])
    dst = jnp.concatenate([edge_index[1], loops])
    e = _leaky(asrc[src] + adst[dst], 0.2)
    m = jax.lax.stop_gradient(jax.ops.segment_max(e, dst, num_segments=N))
    ee = jnp.exp(e - m[dst])
    denom = jax.ops.segment_sum(ee, dst, num_segments=N)
    alpha = ee / denom[dst]
    out = jax.ops.segment_sum(xl[src] * alpha[:, None], dst, num_segments=N)
    return out + p['gat_b']


def _forward(x, style1, style2, edge_index, p):
    # dropout is identity (eval); BatchNorm uses batch statistics (train-mode math)
    h = x.T  # [input_dim, input_num]
    h = h @ p['trs_W'].T + p['trs_b']  # [input_dim, out_num]
    mu = jnp.mean(h, axis=0)
    var = jnp.var(h, axis=0)
    h = (h - mu) / jnp.sqrt(var + 1e-05) * p['bn2_g'] + p['bn2_b']
    h = _leaky(h)
    h = h.T  # [out_num, input_dim]
    h = _adain(h, style1, style2, p, 'a1')
    h = h @ p['fc1_W'].T + p['fc1_b']  # [out_num, hidden_dim]
    mu = jnp.mean(h, axis=0)
    var = jnp.var(h, axis=0)
    h = (h - mu) / jnp.sqrt(var + 1e-05) * p['bn1_g'] + p['bn1_b']
    h = _leaky(h)
    h = _adain(h, style1, style2, p, 'a2')
    h = _leaky(_gat(h, edge_index, p))
    h = _adain(h, style1, style2, p, 'a3')
    return h


def reference(x, edge_index, style1, style2, params):
    return _forward(x, style1, style2, edge_index, params)

if __name__ == "__main__":
    import jax
    _d = setup_inputs()
    print(jax.jit(kernel)(*tuple(_d.values())))

</pallas_src>

<mosaic_0001>
#map = affine_map<(d0, d1) -> (0, 0, 0)>
#map1 = affine_map<(d0, d1) -> (0)>
module attributes {stable_mosaic.version = 14 : i64} {
  func.func @_edge1_body(%arg0: i32, %arg1: i32, %arg2: memref<16x162x128xi32, #tpu.memory_space<hbm>>, %arg3: memref<10240xf32, #tpu.memory_space<hbm>>, %arg4: memref<10240xf32, #tpu.memory_space<hbm>>, %arg5: memref<16x162x128xf32, #tpu.memory_space<hbm>>, %arg6: memref<10240xf32, #tpu.memory_space<hbm>>, %arg7: memref<162x128xi32, #tpu.memory_space<vmem>>, %arg8: memref<162x128xi32, #tpu.memory_space<vmem>>, %arg9: memref<162x128xf32, #tpu.memory_space<vmem>>, %arg10: memref<10240xf32, #tpu.memory_space<vmem>>, %arg11: memref<10240xf32, #tpu.memory_space<vmem>>, %arg12: memref<10240xf32, #tpu.memory_space<vmem>>, %arg13: memref<10240xf32, #tpu.memory_space<vmem_shared>>, %arg14: memref<!tpu.dma_semaphore, #tpu.memory_space<semaphore_mem>>) attributes {dimension_semantics = [#tpu.dimension_semantics<core_parallel>, #tpu.dimension_semantics<subcore_parallel>], iteration_bounds = array<i64: 1, 16>, scalar_prefetch = 0 : i64, scratch_operands = 8 : i64, tpu.core_type = #tpu.core_type<sc_vector_subcore>, window_params = [{transform_indices = #map}, {transform_indices = #map1}, {transform_indices = #map1}, {transform_indices = #map}, {transform_indices = #map1}]} {
    "tpu.region"() ({
      %run_scoped3A = tpu.sem_alloc : memref<!tpu.dma_semaphore, #tpu.memory_space<semaphore_mem>>
      %dma_start3A = arith.constant 0 : i32
      %dma_start3A_26 = arith.constant 0 : i32
      %dma_start3A_27 = tpu.memref_slice %arg2[%arg1, %dma_start3A, %dma_start3A_26] : memref<16x162x128xi32, #tpu.memory_space<hbm>> -> memref<1x162x128xi32, #tpu.memory_space<hbm>>
      %dma_start3A_28 = tpu.memref_squeeze %dma_start3A_27 : memref<1x162x128xi32, #tpu.memory_space<hbm>> -> memref<162x128xi32, #tpu.memory_space<hbm>>
      %dma_start3A_29 = arith.constant 0 : i32
      %dma_start3A_30 = arith.constant 0 : i32
      %dma_start3A_31 = tpu.memref_slice %arg2[%arg1, %dma_start3A_29, %dma_start3A_30] : memref<16x162x128xi32, #tpu.memory_space<hbm>> -> memref<1x162x128xi32, #tpu.memory_space<hbm>>
      %dma_start3A_32 = tpu.memref_squeeze %dma_start3A_31 : memref<1x162x128xi32, #tpu.memory_space<hbm>> -> memref<162x128xi32, #tpu.memory_space<hbm>>
      tpu.enqueue_dma source(%dma_start3A_32 : memref<162x128xi32, #tpu.memory_space<hbm>>) target(%arg7 : memref<162x128xi32, #tpu.memory_space<vmem>>) target_semaphore(%run_scoped3A : memref<!tpu.dma_semaphore, #tpu.memory_space<semaphore_mem>>)
      %dma_wait3A = arith.constant 0 : i32
      %dma_wait3A_33 = arith.constant 0 : i32
      %dma_wait3A_34 = tpu.memref_slice %arg2[%arg1, %dma_wait3A, %dma_wait3A_33] : memref<16x162x128xi32, #tpu.memory_space<hbm>> -> memref<1x162x128xi32, #tpu.memory_space<hbm>>
      %dma_wait3A_35 = tpu.memref_squeeze %dma_wait3A_34 : memref<1x162x128xi32, #tpu.memory_space<hbm>> -> memref<162x128xi32, #tpu.memory_space<hbm>>
      %dma_wait3A_36 = arith.constant 0 : i32
      %dma_wait3A_37 = arith.constant 0 : i32
      %dma_wait3A_38 = tpu.memref_slice %arg2[%arg1, %dma_wait3A_36, %dma_wait3A_37] : memref<16x162x128xi32, #tpu.memory_space<hbm>> -> memref<1x162x128xi32, #tpu.memory_space<hbm>>
      %dma_wait3A_39 = tpu.memref_squeeze %dma_wait3A_38 : memref<1x162x128xi32, #tpu.memory_space<hbm>> -> memref<162x128xi32, #tpu.memory_space<hbm>>
      tpu.wait_dma2 semaphore(%run_scoped3A : memref<!tpu.dma_semaphore, #tpu.memory_space<semaphore_mem>>) src(%dma_wait3A_39 : memref<162x128xi32, #tpu.memory_space<hbm>>) dst(%arg7 : memref<162x128xi32, #tpu.memory_space<vmem>>)
      tpu.yield
    }) : () -> ()
    "tpu.region"() ({
      %run_scoped3A = tpu.sem_alloc : memref<!tpu.dma_semaphore, #tpu.memory_space<semaphore_mem>>
      tpu.enqueue_dma source(%arg3 : memref<10240xf32, #tpu.memory_space<hbm>>) target(%arg10 : memref<10240xf32, #tpu.memory_space<vmem>>) target_semaphore(%run_scoped3A : memref<!tpu.dma_semaphore, #tpu.memory_space<semaphore_mem>>)
      tpu.wait_dma2 semaphore(%run_scoped3A : memref<!tpu.dma_semaphore, #tpu.memory_space<semaphore_mem>>) src(%arg3 : memref<10240xf32, #tpu.memory_space<hbm>>) dst(%arg10 : memref<10240xf32, #tpu.memory_space<vmem>>)
      tpu.yield
    }) : () -> ()
    "tpu.region"() ({
      %run_scoped3A = tpu.sem_alloc : memref<!tpu.dma_semaphore, #tpu.memory_space<semaphore_mem>>
      tpu.enqueue_dma source(%arg4 : memref<10240xf32, #tpu.memory_space<hbm>>) target(%arg11 : memref<10240xf32, #tpu.memory_space<vmem>>) target_semaphore(%run_scoped3A : memref<!tpu.dma_semaphore, #tpu.memory_space<semaphore_mem>>)
      tpu.wait_dma2 semaphore(%run_scoped3A : memref<!tpu.dma_semaphore, #tpu.memory_space<semaphore_mem>>) src(%arg4 : memref<10240xf32, #tpu.memory_space<hbm>>) dst(%arg11 : memref<10240xf32, #tpu.memory_space<vmem>>)
      tpu.yield
    }) : () -> ()
    %broadcast_in_dim3A = arith.constant 0.000000e+00 : f32
    %broadcast_in_dim3A_0 = vector.broadcast %broadcast_in_dim3A : f32 to vector<16xf32>
    %scan3A = arith.constant 0 : i32
    %scan3A_1 = arith.constant 0 : i32
    %scan3A_2 = arith.constant 640 : i32
    %scan3A_3 = arith.addi %scan3A_1, %scan3A_2 : i32
    %scan3A_4 = arith.constant 1 : i32
    scf.for %scan3A_26 = %scan3A_1 to %scan3A_3 step %scan3A_4  : i32 {
      %mul3A_27 = arith.constant 16 : i32
      %mul3A_28 = arith.muli %scan3A_26, %mul3A_27 : i32
      %swap3A = arith.index_cast %mul3A_28 : i32 to index
      %swap3A_29 = tpu.vector_load %arg12[%swap3A] {strides = array<i32>} : memref<10240xf32, #tpu.memory_space<vmem>>, vector<16xf32>,
      tpu.vector_store %arg12[%swap3A], %broadcast_in_dim3A_0 {strides = array<i32>} : memref<10240xf32, #tpu.memory_space<vmem>>, vector<16xf32>,
    }
    %scan3A_5 = arith.constant 640 : i32
    %mul3A = arith.constant 640 : i32
    %mul3A_6 = arith.muli %arg1, %mul3A : i32
    %mul3A_7 = arith.constant 640 : i32
    %mul3A_8 = arith.muli %arg1, %mul3A_7 : i32
    "tpu.region"() ({
      %run_scoped3A = tpu.sem_alloc : memref<!tpu.dma_semaphore, #tpu.memory_space<semaphore_mem>>
      %dma_start3A = tpu.memref_slice %arg12[%mul3A_6] : memref<10240xf32, #tpu.memory_space<vmem>> -> memref<640xf32, #tpu.memory_space<vmem>>
      %dma_start3A_26 = tpu.memref_slice %arg13[%mul3A_8] : memref<10240xf32, #tpu.memory_space<vmem_shared>> -> memref<640xf32, #tpu.memory_space<vmem_shared>>
      %dma_start3A_27 = tpu.memref_slice %arg13[%mul3A_8] : memref<10240xf32, #tpu.memory_space<vmem_shared>> -> memref<640xf32, #tpu.memory_space<vmem_shared>>
      %dma_start3A_28 = tpu.memref_slice %arg12[%mul3A_6] : memref<10240xf32, #tpu.memory_space<vmem>> -> memref<640xf32, #tpu.memory_space<vmem>>
      tpu.enqueue_dma source(%dma_start3A_28 : memref<640xf32, #tpu.memory_space<vmem>>) target(%dma_start3A_27 : memref<640xf32, #tpu.memory_space<vmem_shared>>) target_semaphore(%run_scoped3A : memref<!tpu.dma_semaphore, #tpu.memory_space<semaphore_mem>>)
      %dma_wait3A = tpu.memref_slice %arg12[%mul3A_6] : memref<10240xf32, #tpu.memory_space<vmem>> -> memref<640xf32, #tpu.memory_space<vmem>>
      %dma_wait3A_29 = tpu.memref_slice %arg13[%mul3A_8] : memref<10240xf32, #tpu.memory_space<vmem_shared>> -> memref<640xf32, #tpu.memory_space<vmem_shared>>
      %dma_wait3A_30 = tpu.memref_slice %arg13[%mul3A_8] : memref<10240xf32, #tpu.memory_space<vmem_shared>> -> memref<640xf32, #tpu.memory_space<vmem_shared>>
      %dma_wait3A_31 = tpu.memref_slice %arg12[%mul3A_6] : memref<10240xf32, #tpu.memory_space<vmem>> -> memref<640xf32, #tpu.memory_space<vmem>>
      tpu.wait_dma2 semaphore(%run_scoped3A : memref<!tpu.dma_semaphore, #tpu.memory_space<semaphore_mem>>) src(%dma_wait3A_31 : memref<640xf32, #tpu.memory_space<vmem>>) dst(%dma_wait3A_30 : memref<640xf32, #tpu.memory_space<vmem_shared>>)
      tpu.yield
    }) : () -> ()
    %scan3A_9 = arith.constant 0 : i32
    %scan3A_10 = arith.constant 0 : i32
    %scan3A_11 = arith.constant 162 : i32
    %scan3A_12 = arith.addi %scan3A_10, %scan3A_11 : i32
    %scan3A_13 = arith.constant 1 : i32
    scf.for %scan3A_26 = %scan3A_10 to %scan3A_12 step %scan3A_13  : i32 {
      %scan3A_27 = arith.constant 0 : i32
      %scan3A_28 = arith.constant 8 : i32
      %scan3A_29 = arith.addi %scan3A_27, %scan3A_28 : i32
      %scan3A_30 = arith.constant 1 : i32
      scf.for %scan3A_32 = %scan3A_27 to %scan3A_29 step %scan3A_30  : i32 {
        %mul3A_33 = arith.constant 16 : i32
        %mul3A_34 = arith.muli %scan3A_32, %mul3A_33 : i32
        %get3A = arith.index_cast %scan3A_26 : i32 to index
        %get3A_35 = arith.index_cast %mul3A_34 : i32 to index
        %get3A_36 = tpu.vector_load %arg7[%get3A, %get3A_35] {strides = array<i32>} : memref<162x128xi32, #tpu.memory_space<vmem>>, vector<16xi32>,
        %and3A = arith.constant 16383 : i32
        %and3A_37 = vector.broadcast %and3A : i32 to vector<16xi32>
        %and3A_38 = arith.andi %get3A_36, %and3A_37 : vector<16xi32>
        %shift_right_logical3A = arith.constant 14 : i32
        %shift_right_logical3A_39 = vector.broadcast %shift_right_logical3A : i32 to vector<16xi32>
        %shift_right_logical3A_40 = arith.shrui %get3A_36, %shift_right_logical3A_39 : vector<16xi32>
        %swap3A = arith.index_cast %scan3A_26 : i32 to index
        %swap3A_41 = arith.index_cast %mul3A_34 : i32 to index
        %swap3A_42 = tpu.vector_load %arg8[%swap3A, %swap3A_41] {strides = array<i32>} : memref<162x128xi32, #tpu.memory_space<vmem>>, vector<16xi32>,
        tpu.vector_store %arg8[%swap3A, %swap3A_41], %shift_right_logical3A_40 {strides = array<i32>} : memref<162x128xi32, #tpu.memory_space<vmem>>, vector<16xi32>,
        %gather3A = tpu.vector_load_idx %arg10[%and3A_38] : memref<10240xf32, #tpu.memory_space<vmem>>[vector<16xi32>], vector<16xf32>,
        %gather3A_43 = tpu.vector_load_idx %arg11[%shift_right_logical3A_40] : memref<10240xf32, #tpu.memory_space<vmem>>[vector<16xi32>], vector<16xf32>,
        %add3A = arith.addf %gather3A, %gather3A_43 : vector<16xf32>
        %ge3A = arith.constant 0.000000e+00 : f32
        %ge3A_44 = vector.broadcast %ge3A : f32 to vector<16xf32>
        %ge3A_45 = arith.cmpf oge, %add3A, %ge3A_44 : vector<16xf32>
        %mul3A_46 = arith.constant 2.000000e-01 : f32
        %mul3A_47 = vector.broadcast %mul3A_46 : f32 to vector<16xf32>
        %mul3A_48 = arith.mulf %mul3A_47, %add3A : vector<16xf32>
        %select_n3A = arith.select %ge3A_45, %add3A, %mul3A_48 : vector<16xi1>, vector<16xf32>
        %exp3A = math.exp %select_n3A : vector<16xf32>
        %swap3A_49 = arith.index_cast %scan3A_26 : i32 to index
        %swap3A_50 = arith.index_cast %mul3A_34 : i32 to index
        %swap3A_51 = tpu.vector_load %arg9[%swap3A_49, %swap3A_50] {strides = array<i32>} : memref<162x128xf32, #tpu.memory_space<vmem>>, vector<16xf32>,
        tpu.vector_store %arg9[%swap3A_49, %swap3A_50], %exp3A {strides = array<i32>} : memref<162x128xf32, #tpu.memory_space<vmem>>, vector<16xf32>,
      }
      %scan3A_31 = arith.constant 8 : i32
    }
    %scan3A_14 = arith.constant 162 : i32
    %barrier3A = arith.constant 0 : index
    tpu.barrier barrier_id(%barrier3A)
    %scan3A_15 = arith.constant 0 : i32
    %scan3A_16 = arith.constant 0 : i32
    %scan3A_17 = arith.constant 162 : i32
    %scan3A_18 = arith.addi %scan3A_16, %scan3A_17 : i32
    %scan3A_19 = arith.constant 1 : i32
    scf.for %scan3A_26 = %scan3A_16 to %scan3A_18 step %scan3A_19  : i32 {
      "tpu.region"() ({
        %run_scoped3A = tpu.sem_alloc : memref<!tpu.dma_semaphore, #tpu.memory_space<semaphore_mem>>
        %dma_start3A = arith.constant 0 : i32
        %dma_start3A_27 = tpu.memref_slice %arg9[%scan3A_26, %dma_start3A] : memref<162x128xf32, #tpu.memory_space<vmem>> -> memref<1x128xf32, #tpu.memory_space<vmem>>
        %dma_start3A_28 = tpu.memref_squeeze %dma_start3A_27 : memref<1x128xf32, #tpu.memory_space<vmem>> -> memref<128xf32, #tpu.memory_space<vmem>>
        %dma_start3A_29 = arith.constant 0 : i32
        %dma_start3A_30 = tpu.memref_slice %arg8[%scan3A_26, %dma_start3A_29] : memref<162x128xi32, #tpu.memory_space<vmem>> -> memref<1x128xi32, #tpu.memory_space<vmem>>
        %dma_start3A_31 = tpu.memref_squeeze %dma_start3A_30 : memref<1x128xi32, #tpu.memory_space<vmem>> -> memref<128xi32, #tpu.memory_space<vmem>>
        %dma_start3A_32 = arith.constant 0 : i32
        %dma_start3A_33 = tpu.memref_slice %arg13[%dma_start3A_32] : memref<10240xf32, #tpu.memory_space<vmem_shared>> -> memref<10240xf32, #tpu.memory_space<vmem_shared>>
        tpu.enqueue_indirect_dma source(%dma_start3A_28 : memref<128xf32, #tpu.memory_space<vmem>>) target(%dma_start3A_33 : memref<10240xf32, #tpu.memory_space<vmem_shared>>) offsets(%dma_start3A_31 : memref<128xi32, #tpu.memory_space<vmem>>) semaphore(%run_scoped3A : memref<!tpu.dma_semaphore, #tpu.memory_space<semaphore_mem>>) {add = true}
        %dma_wait3A = arith.constant 0 : i32
        %dma_wait3A_34 = tpu.memref_slice %arg9[%scan3A_26, %dma_wait3A] : memref<162x128xf32, #tpu.memory_space<vmem>> -> memref<1x128xf32, #tpu.memory_space<vmem>>
        %dma_wait3A_35 = tpu.memref_squeeze %dma_wait3A_34 : memref<1x128xf32, #tpu.memory_space<vmem>> -> memref<128xf32, #tpu.memory_space<vmem>>
        %dma_wait3A_36 = arith.constant 0 : i32
        %dma_wait3A_37 = tpu.memref_slice %arg8[%scan3A_26, %dma_wait3A_36] : memref<162x128xi32, #tpu.memory_space<vmem>> -> memref<1x128xi32, #tpu.memory_space<vmem>>
        %dma_wait3A_38 = tpu.memref_squeeze %dma_wait3A_37 : memref<1x128xi32, #tpu.memory_space<vmem>> -> memref<128xi32, #tpu.memory_space<vmem>>
        %dma_wait3A_39 = arith.constant 0 : i32
        %dma_wait3A_40 = tpu.memref_slice %arg13[%dma_wait3A_39] : memref<10240xf32, #tpu.memory_space<vmem_shared>> -> memref<10240xf32, #tpu.memory_space<vmem_shared>>
        tpu.wait_indirect_dma semaphore(%run_scoped3A : memref<!tpu.dma_semaphore, #tpu.memory_space<semaphore_mem>>) src(%dma_wait3A_35 : memref<128xf32, #tpu.memory_space<vmem>>) dst(%dma_wait3A_40 : memref<10240xf32, #tpu.memory_space<vmem_shared>>)
        tpu.yield
      }) : () -> ()
    }
    %scan3A_20 = arith.constant 162 : i32
    %barrier3A_21 = arith.constant 0 : index
    tpu.barrier barrier_id(%barrier3A_21)
    "tpu.region"() ({
      %run_scoped3A = tpu.sem_alloc : memref<!tpu.dma_semaphore, #tpu.memory_space<semaphore_mem>>
      %dma_start3A = arith.constant 0 : i32
      %dma_start3A_26 = arith.constant 0 : i32
      %dma_start3A_27 = tpu.memref_slice %arg5[%arg1, %dma_start3A, %dma_start3A_26] : memref<16x162x128xf32, #tpu.memory_space<hbm>> -> memref<1x162x128xf32, #tpu.memory_space<hbm>>
      %dma_start3A_28 = tpu.memref_squeeze %dma_start3A_27 : memref<1x162x128xf32, #tpu.memory_space<hbm>> -> memref<162x128xf32, #tpu.memory_space<hbm>>
      %dma_start3A_29 = arith.constant 0 : i32
      %dma_start3A_30 = arith.constant 0 : i32
      %dma_start3A_31 = tpu.memref_slice %arg5[%arg1, %dma_start3A_29, %dma_start3A_30] : memref<16x162x128xf32, #tpu.memory_space<hbm>> -> memref<1x162x128xf32, #tpu.memory_space<hbm>>
      %dma_start3A_32 = tpu.memref_squeeze %dma_start3A_31 : memref<1x162x128xf32, #tpu.memory_space<hbm>> -> memref<162x128xf32, #tpu.memory_space<hbm>>
      tpu.enqueue_dma source(%arg9 : memref<162x128xf32, #tpu.memory_space<vmem>>) target(%dma_start3A_32 : memref<162x128xf32, #tpu.memory_space<hbm>>) target_semaphore(%run_scoped3A : memref<!tpu.dma_semaphore, #tpu.memory_space<semaphore_mem>>)
      %dma_wait3A = arith.constant 0 : i32
      %dma_wait3A_33 = arith.constant 0 : i32
      %dma_wait3A_34 = tpu.memref_slice %arg5[%arg1, %dma_wait3A, %dma_wait3A_33] : memref<16x162x128xf32, #tpu.memory_space<hbm>> -> memref<1x162x128xf32, #tpu.memory_space<hbm>>
      %dma_wait3A_35 = tpu.memref_squeeze %dma_wait3A_34 : memref<1x162x128xf32, #tpu.memory_space<hbm>> -> memref<162x128xf32, #tpu.memory_space<hbm>>
      %dma_wait3A_36 = arith.constant 0 : i32
      %dma_wait3A_37 = arith.constant 0 : i32
      %dma_wait3A_38 = tpu.memref_slice %arg5[%arg1, %dma_wait3A_36, %dma_wait3A_37] : memref<16x162x128xf32, #tpu.memory_space<hbm>> -> memref<1x162x128xf32, #tpu.memory_space<hbm>>
      %dma_wait3A_39 = tpu.memref_squeeze %dma_wait3A_38 : memref<1x162x128xf32, #tpu.memory_space<hbm>> -> memref<162x128xf32, #tpu.memory_space<hbm>>
      tpu.wait_dma2 semaphore(%run_scoped3A : memref<!tpu.dma_semaphore, #tpu.memory_space<semaphore_mem>>) src(%arg9 : memref<162x128xf32, #tpu.memory_space<vmem>>) dst(%dma_wait3A_39 : memref<162x128xf32, #tpu.memory_space<hbm>>)
      tpu.yield
    }) : () -> ()
    %mul3A_22 = arith.constant 640 : i32
    %mul3A_23 = arith.muli %arg1, %mul3A_22 : i32
    %mul3A_24 = arith.constant 640 : i32
    %mul3A_25 = arith.muli %arg1, %mul3A_24 : i32
    "tpu.region"() ({
      %run_scoped3A = tpu.sem_alloc : memref<!tpu.dma_semaphore, #tpu.memory_space<semaphore_mem>>
      %dma_start3A = tpu.memref_slice %arg6[%mul3A_25] : memref<10240xf32, #tpu.memory_space<hbm>> -> memref<640xf32, #tpu.memory_space<hbm>>
      %dma_start3A_26 = tpu.memref_slice %arg13[%mul3A_23] : memref<10240xf32, #tpu.memory_space<vmem_shared>> -> memref<640xf32, #tpu.memory_space<vmem_shared>>
      tpu.enqueue_dma source(%dma_start3A_26 : memref<640xf32, #tpu.memory_space<vmem_shared>>) target(%dma_start3A : memref<640xf32, #tpu.memory_space<hbm>>) target_semaphore(%run_scoped3A : memref<!tpu.dma_semaphore, #tpu.memory_space<semaphore_mem>>)
      %dma_wait3A = tpu.memref_slice %arg6[%mul3A_25] : memref<10240xf32, #tpu.memory_space<hbm>> -> memref<640xf32, #tpu.memory_space<hbm>>
      %dma_wait3A_27 = tpu.memref_slice %arg13[%mul3A_23] : memref<10240xf32, #tpu.memory_space<vmem_shared>> -> memref<640xf32, #tpu.memory_space<vmem_shared>>
      tpu.wait_dma2 semaphore(%run_scoped3A : memref<!tpu.dma_semaphore, #tpu.memory_space<semaphore_mem>>) src(%dma_wait3A_27 : memref<640xf32, #tpu.memory_space<vmem_shared>>) dst(%dma_wait3A : memref<640xf32, #tpu.memory_space<hbm>>)
      tpu.yield
    }) : () -> ()
    return
  }
}

#map = affine_map<(d0, d1) -> (0, 0, 0)>
#map1 = affine_map<(d0, d1) -> (0)>
#map2 = affine_map<(d0, d1) -> (0, 0)>
module attributes {stable_mosaic.version = 14 : i64} {
  func.func @_edge2_body(%arg0: i32, %arg1: i32, %arg2: memref<16x162x128xi32, #tpu.memory_space<hbm>>, %arg3: memref<16x162x128xf32, #tpu.memory_space<hbm>>, %arg4: memref<10240xf32, #tpu.memory_space<hbm>>, %arg5: memref<10000x64xf32, #tpu.memory_space<hbm>>, %arg6: memref<10240x64xf32, #tpu.memory_space<hbm>>, %arg7: memref<162x128xi32, #tpu.memory_space<vmem>>, %arg8: memref<162x128xf32, #tpu.memory_space<vmem>>, %arg9: memref<10240xf32, #tpu.memory_space<vmem>>, %arg10: memref<128x64xf32, #tpu.memory_space<vmem>>, %arg11: memref<128x64xf32, #tpu.memory_space<vmem>>, %arg12: memref<128x64xf32, #tpu.memory_space<vmem>>, %arg13: memref<128x64xf32, #tpu.memory_space<vmem>>, %arg14: memref<128xi32, #tpu.memory_space<vmem>>, %arg15: memref<128xi32, #tpu.memory_space<vmem>>, %arg16: memref<128xi32, #tpu.memory_space<vmem>>, %arg17: memref<128xi32, #tpu.memory_space<vmem>>, %arg18: memref<10240x64xf32, #tpu.memory_space<vmem_shared>>, %arg19: memref<!tpu.dma_semaphore, #tpu.memory_space<semaphore_mem>>, %arg20: memref<!tpu.dma_semaphore, #tpu.memory_space<semaphore_mem>>, %arg21: memref<!tpu.dma_semaphore, #tpu.memory_space<semaphore_mem>>, %arg22: memref<!tpu.dma_semaphore, #tpu.memory_space<semaphore_mem>>) attributes {dimension_semantics = [#tpu.dimension_semantics<core_parallel>, #tpu.dimension_semantics<subcore_parallel>], iteration_bounds = array<i64: 1, 16>, scalar_prefetch = 0 : i64, scratch_operands = 16 : i64, tpu.core_type = #tpu.core_type<sc_vector_subcore>, window_params = [{transform_indices = #map}, {transform_indices = #map}, {transform_indices = #map1}, {transform_indices = #map2}, {transform_indices = #map2}]} {
    "tpu.region"() ({
      %run_scoped3A = tpu.sem_alloc : memref<!tpu.dma_semaphore, #tpu.memory_space<semaphore_mem>>
      %dma_start3A_35 = arith.constant 0 : i32
      %dma_start3A_36 = arith.constant 0 : i32
      %dma_start3A_37 = tpu.memref_slice %arg2[%arg1, %dma_start3A_35, %dma_start3A_36] : memref<16x162x128xi32, #tpu.memory_space<hbm>> -> memref<1x162x128xi32, #tpu.memory_space<hbm>>
      %dma_start3A_38 = tpu.memref_squeeze %dma_start3A_37 : memref<1x162x128xi32, #tpu.memory_space<hbm>> -> memref<162x128xi32, #tpu.memory_space<hbm>>
      %dma_start3A_39 = arith.constant 0 : i32
      %dma_start3A_40 = arith.constant 0 : i32
      %dma_start3A_41 = tpu.memref_slice %arg2[%arg1, %dma_start3A_39, %dma_start3A_40] : memref<16x162x128xi32, #tpu.memory_space<hbm>> -> memref<1x162x128xi32, #tpu.memory_space<hbm>>
      %dma_start3A_42 = tpu.memref_squeeze %dma_start3A_41 : memref<1x162x128xi32, #tpu.memory_space<hbm>> -> memref<162x128xi32, #tpu.memory_space<hbm>>
      tpu.enqueue_dma source(%dma_start3A_42 : memref<162x128xi32, #tpu.memory_space<hbm>>) target(%arg7 : memref<162x128xi32, #tpu.memory_space<vmem>>) target_semaphore(%run_scoped3A : memref<!tpu.dma_semaphore, #tpu.memory_space<semaphore_mem>>)
      %dma_wait3A_43 = arith.constant 0 : i32
      %dma_wait3A_44 = arith.constant 0 : i32
      %dma_wait3A_45 = tpu.memref_slice %arg2[%arg1, %dma_wait3A_43, %dma_wait3A_44] : memref<16x162x128xi32, #tpu.memory_space<hbm>> -> memref<1x162x128xi32, #tpu.memory_space<hbm>>
      %dma_wait3A_46 = tpu.memref_squeeze %dma_wait3A_45 : memref<1x162x128xi32, #tpu.memory_space<hbm>> -> memref<162x128xi32, #tpu.memory_space<hbm>>
      %dma_wait3A_47 = arith.constant 0 : i32
      %dma_wait3A_48 = arith.constant 0 : i32
      %dma_wait3A_49 = tpu.memref_slice %arg2[%arg1, %dma_wait3A_47, %dma_wait3A_48] : memref<16x162x128xi32, #tpu.memory_space<hbm>> -> memref<1x162x128xi32, #tpu.memory_space<hbm>>
      %dma_wait3A_50 = tpu.memref_squeeze %dma_wait3A_49 : memref<1x162x128xi32, #tpu.memory_space<hbm>> -> memref<162x128xi32, #tpu.memory_space<hbm>>
      tpu.wait_dma2 semaphore(%run_scoped3A : memref<!tpu.dma_semaphore, #tpu.memory_space<semaphore_mem>>) src(%dma_wait3A_50 : memref<162x128xi32, #tpu.memory_space<hbm>>) dst(%arg7 : memref<162x128xi32, #tpu.memory_space<vmem>>)
      tpu.yield
    }) : () -> ()
    "tpu.region"() ({
      %run_scoped3A = tpu.sem_alloc : memref<!tpu.dma_semaphore, #tpu.memory_space<semaphore_mem>>
      %dma_start3A_35 = arith.constant 0 : i32
      %dma_start3A_36 = arith.constant 0 : i32
      %dma_start3A_37 = tpu.memref_slice %arg3[%arg1, %dma_start3A_35, %dma_start3A_36] : memref<16x162x128xf32, #tpu.memory_space<hbm>> -> memref<1x162x128xf32, #tpu.memory_space<hbm>>
      %dma_start3A_38 = tpu.memref_squeeze %dma_start3A_37 : memref<1x162x128xf32, #tpu.memory_space<hbm>> -> memref<162x128xf32, #tpu.memory_space<hbm>>
      %dma_start3A_39 = arith.constant 0 : i32
      %dma_start3A_40 = arith.constant 0 : i32
      %dma_start3A_41 = tpu.memref_slice %arg3[%arg1, %dma_start3A_39, %dma_start3A_40] : memref<16x162x128xf32, #tpu.memory_space<hbm>> -> memref<1x162x128xf32, #tpu.memory_space<hbm>>
      %dma_start3A_42 = tpu.memref_squeeze %dma_start3A_41 : memref<1x162x128xf32, #tpu.memory_space<hbm>> -> memref<162x128xf32, #tpu.memory_space<hbm>>
      tpu.enqueue_dma source(%dma_start3A_42 : memref<162x128xf32, #tpu.memory_space<hbm>>) target(%arg8 : memref<162x128xf32, #tpu.memory_space<vmem>>) target_semaphore(%run_scoped3A : memref<!tpu.dma_semaphore, #tpu.memory_space<semaphore_mem>>)
      %dma_wait3A_43 = arith.constant 0 : i32
      %dma_wait3A_44 = arith.constant 0 : i32
      %dma_wait3A_45 = tpu.memref_slice %arg3[%arg1, %dma_wait3A_43, %dma_wait3A_44] : memref<16x162x128xf32, #tpu.memory_space<hbm>> -> memref<1x162x128xf32, #tpu.memory_space<hbm>>
      %dma_wait3A_46 = tpu.memref_squeeze %dma_wait3A_45 : memref<1x162x128xf32, #tpu.memory_space<hbm>> -> memref<162x128xf32, #tpu.memory_space<hbm>>
      %dma_wait3A_47 = arith.constant 0 : i32
      %dma_wait3A_48 = arith.constant 0 : i32
      %dma_wait3A_49 = tpu.memref_slice %arg3[%arg1, %dma_wait3A_47, %dma_wait3A_48] : memref<16x162x128xf32, #tpu.memory_space<hbm>> -> memref<1x162x128xf32, #tpu.memory_space<hbm>>
      %dma_wait3A_50 = tpu.memref_squeeze %dma_wait3A_49 : memref<1x162x128xf32, #tpu.memory_space<hbm>> -> memref<162x128xf32, #tpu.memory_space<hbm>>
      tpu.wait_dma2 semaphore(%run_scoped3A : memref<!tpu.dma_semaphore, #tpu.memory_space<semaphore_mem>>) src(%dma_wait3A_50 : memref<162x128xf32, #tpu.memory_space<hbm>>) dst(%arg8 : memref<162x128xf32, #tpu.memory_space<vmem>>)
      tpu.yield
    }) : () -> ()
    "tpu.region"() ({
      %run_scoped3A = tpu.sem_alloc : memref<!tpu.dma_semaphore, #tpu.memory_space<semaphore_mem>>
      tpu.enqueue_dma source(%arg4 : memref<10240xf32, #tpu.memory_space<hbm>>) target(%arg9 : memref<10240xf32, #tpu.memory_space<vmem>>) target_semaphore(%run_scoped3A : memref<!tpu.dma_semaphore, #tpu.memory_space<semaphore_mem>>)
      tpu.wait_dma2 semaphore(%run_scoped3A : memref<!tpu.dma_semaphore, #tpu.memory_space<semaphore_mem>>) src(%arg4 : memref<10240xf32, #tpu.memory_space<hbm>>) dst(%arg9 : memref<10240xf32, #tpu.memory_space<vmem>>)
      tpu.yield
    }) : () -> ()
    %broadcast_in_dim3A = arith.constant 0.000000e+00 : f32
    %broadcast_in_dim3A_0 = vector.broadcast %broadcast_in_dim3A : f32 to vector<16xf32>
    %scan3A = arith.constant 0 : i32
    %scan3A_1 = arith.constant 0 : i32
    %scan3A_2 = arith.constant 128 : i32
    %scan3A_3 = arith.addi %scan3A_1, %scan3A_2 : i32
    %scan3A_4 = arith.constant 1 : i32
    scf.for %scan3A_35 = %scan3A_1 to %scan3A_3 step %scan3A_4  : i32 {
      %swap3A = arith.index_cast %scan3A_35 : i32 to index
      %swap3A_36 = arith.constant 0 : index
      %swap3A_37 = tpu.vector_load %arg12[%swap3A, %swap3A_36] {strides = array<i32>} : memref<128x64xf32, #tpu.memory_space<vmem>>, vector<16xf32>,
      tpu.vector_store %arg12[%swap3A, %swap3A_36], %broadcast_in_dim3A_0 {strides = array<i32>} : memref<128x64xf32, #tpu.memory_space<vmem>>, vector<16xf32>,
      %swap3A_38 = arith.index_cast %scan3A_35 : i32 to index
      %swap3A_39 = arith.constant 16 : index
      %swap3A_40 = tpu.vector_load %arg12[%swap3A_38, %swap3A_39] {strides = array<i32>} : memref<128x64xf32, #tpu.memory_space<vmem>>, vector<16xf32>,
      tpu.vector_store %arg12[%swap3A_38, %swap3A_39], %broadcast_in_dim3A_0 {strides = array<i32>} : memref<128x64xf32, #tpu.memory_space<vmem>>, vector<16xf32>,
      %swap3A_41 = arith.index_cast %scan3A_35 : i32 to index
      %swap3A_42 = arith.constant 32 : index
      %swap3A_43 = tpu.vector_load %arg12[%swap3A_41, %swap3A_42] {strides = array<i32>} : memref<128x64xf32, #tpu.memory_space<vmem>>, vector<16xf32>,
      tpu.vector_store %arg12[%swap3A_41, %swap3A_42], %broadcast_in_dim3A_0 {strides = array<i32>} : memref<128x64xf32, #tpu.memory_space<vmem>>, vector<16xf32>,
      %swap3A_44 = arith.index_cast %scan3A_35 : i32 to index
      %swap3A_45 = arith.constant 48 : index
      %swap3A_46 = tpu.vector_load %arg12[%swap3A_44, %swap3A_45] {strides = array<i32>} : memref<128x64xf32, #tpu.memory_space<vmem>>, vector<16xf32>,
      tpu.vector_store %arg12[%swap3A_44, %swap3A_45], %broadcast_in_dim3A_0 {strides = array<i32>} : memref<128x64xf32, #tpu.memory_space<vmem>>, vector<16xf32>,
    }
    %scan3A_5 = arith.constant 128 : i32
    %scan3A_6 = arith.constant 0 : i32
    %scan3A_7 = arith.constant 0 : i32
    %scan3A_8 = arith.constant 5 : i32
    %scan3A_9 = arith.addi %scan3A_7, %scan3A_8 : i32
    %scan3A_10 = arith.constant 1 : i32
    scf.for %scan3A_35 = %scan3A_7 to %scan3A_9 step %scan3A_10  : i32 {
      %mul3A_36 = arith.constant 640 : i32
      %mul3A_37 = arith.muli %arg1, %mul3A_36 : i32
      %mul3A_38 = arith.constant 128 : i32
      %mul3A_39 = arith.muli %scan3A_35, %mul3A_38 : i32
      %add3A = arith.addi %mul3A_37, %mul3A_39 : i32
      "tpu.region"() ({
        %run_scoped3A = tpu.sem_alloc : memref<!tpu.dma_semaphore, #tpu.memory_space<semaphore_mem>>
        %dma_start3A_40 = arith.constant 0 : i32
        %dma_start3A_41 = tpu.memref_slice %arg18[%add3A, %dma_start3A_40] : memref<10240x64xf32, #tpu.memory_space<vmem_shared>> -> memref<128x64xf32, #tpu.memory_space<vmem_shared>>
        %dma_start3A_42 = arith.constant 0 : i32
        %dma_start3A_43 = tpu.memref_slice %arg18[%add3A, %dma_start3A_42] : memref<10240x64xf32, #tpu.memory_space<vmem_shared>> -> memref<128x64xf32, #tpu.memory_space<vmem_shared>>
        tpu.enqueue_dma source(%arg12 : memref<128x64xf32, #tpu.memory_space<vmem>>) target(%dma_start3A_43 : memref<128x64xf32, #tpu.memory_space<vmem_shared>>) target_semaphore(%run_scoped3A : memref<!tpu.dma_semaphore, #tpu.memory_space<semaphore_mem>>)
        %dma_wait3A_44 = arith.constant 0 : i32
        %dma_wait3A_45 = tpu.memref_slice %arg18[%add3A, %dma_wait3A_44] : memref<10240x64xf32, #tpu.memory_space<vmem_shared>> -> memref<128x64xf32, #tpu.memory_space<vmem_shared>>
        %dma_wait3A_46 = arith.constant 0 : i32
        %dma_wait3A_47 = tpu.memref_slice %arg18[%add3A, %dma_wait3A_46] : memref<10240x64xf32, #tpu.memory_space<vmem_shared>> -> memref<128x64xf32, #tpu.memory_space<vmem_shared>>
        tpu.wait_dma2 semaphore(%run_scoped3A : memref<!tpu.dma_semaphore, #tpu.memory_space<semaphore_mem>>) src(%arg12 : memref<128x64xf32, #tpu.memory_space<vmem>>) dst(%dma_wait3A_47 : memref<128x64xf32, #tpu.memory_space<vmem_shared>>)
        tpu.yield
      }) : () -> ()
    }
    %scan3A_11 = arith.constant 5 : i32
    %barrier3A = arith.constant 0 : index
    tpu.barrier barrier_id(%barrier3A)
    %iota3A = tpu.iota {dimensions = array<i32: 0>} : vector<16xi32>
    %scan3A_12 = arith.constant 0 : i32
    %scan3A_13 = arith.constant 0 : i32
    %scan3A_14 = arith.constant 8 : i32
    %scan3A_15 = arith.addi %scan3A_13, %scan3A_14 : i32
    %scan3A_16 = arith.constant 1 : i32
    scf.for %scan3A_35 = %scan3A_13 to %scan3A_15 step %scan3A_16  : i32 {
      %mul3A_36 = arith.constant 16 : i32
      %mul3A_37 = arith.muli %scan3A_35, %mul3A_36 : i32
      %get3A = arith.constant 0 : i32
      %get3A_38 = arith.index_cast %get3A : i32 to index
      %get3A_39 = arith.index_cast %mul3A_37 : i32 to index
      %get3A_40 = tpu.vector_load %arg7[%get3A_38, %get3A_39] {strides = array<i32>} : memref<162x128xi32, #tpu.memory_space<vmem>>, vector<16xi32>,
      %and3A = arith.constant 16383 : i32
      %and3A_41 = vector.broadcast %and3A : i32 to vector<16xi32>
      %and3A_42 = arith.andi %get3A_40, %and3A_41 : vector<16xi32>
      %swap3A = arith.index_cast %mul3A_37 : i32 to index
      %swap3A_43 = tpu.vector_load %arg14[%swap3A] {strides = array<i32>} : memref<128xi32, #tpu.memory_space<vmem>>, vector<16xi32>,
      tpu.vector_store %arg14[%swap3A], %and3A_42 {strides = array<i32>} : memref<128xi32, #tpu.memory_space<vmem>>, vector<16xi32>,
    }
    %scan3A_17 = arith.constant 8 : i32
    %dma_start3A = arith.constant 0 : i32
    %dma_start3A_18 = arith.constant 0 : i32
    %dma_start3A_19 = tpu.memref_slice %arg5[%dma_start3A, %dma_start3A_18] : memref<10000x64xf32, #tpu.memory_space<hbm>> -> memref<10000x64xf32, #tpu.memory_space<hbm>>
    tpu.enqueue_indirect_dma source(%dma_start3A_19 : memref<10000x64xf32, #tpu.memory_space<hbm>>) target(%arg10 : memref<128x64xf32, #tpu.memory_space<vmem>>) offsets(%arg14 : memref<128xi32, #tpu.memory_space<vmem>>) semaphore(%arg19 : memref<!tpu.dma_semaphore, #tpu.memory_space<semaphore_mem>>)
    %scan3A_20 = arith.constant 0 : i32
    %scan3A_21 = arith.constant 0 : i32
    %scan3A_22 = arith.constant 81 : i32
    %scan3A_23 = arith.addi %scan3A_21, %scan3A_22 : i32
    %scan3A_24 = arith.constant 1 : i32
    scf.for %scan3A_35 = %scan3A_21 to %scan3A_23 step %scan3A_24  : i32 {
      %mul3A_36 = arith.constant 2 : i32
      %mul3A_37 = arith.muli %mul3A_36, %scan3A_35 : i32
      %add3A = arith.constant 1 : i32
      %add3A_38 = arith.addi %mul3A_37, %add3A : i32
      %scan3A_39 = arith.constant 0 : i32
      %scan3A_40 = arith.constant 0 : i32
      %scan3A_41 = arith.constant 8 : i32
      %scan3A_42 = arith.addi %scan3A_40, %scan3A_41 : i32
      %scan3A_43 = arith.constant 1 : i32
      scf.for %scan3A_420 = %scan3A_40 to %scan3A_42 step %scan3A_43  : i32 {
        %mul3A_421 = arith.constant 16 : i32
        %mul3A_422 = arith.muli %scan3A_420, %mul3A_421 : i32
        %get3A_423 = arith.index_cast %add3A_38 : i32 to index
        %get3A_424 = arith.index_cast %mul3A_422 : i32 to index
        %get3A_425 = tpu.vector_load %arg7[%get3A_423, %get3A_424] {strides = array<i32>} : memref<162x128xi32, #tpu.memory_space<vmem>>, vector<16xi32>,
        %and3A = arith.constant 16383 : i32
        %and3A_426 = vector.broadcast %and3A : i32 to vector<16xi32>
        %and3A_427 = arith.andi %get3A_425, %and3A_426 : vector<16xi32>
        %swap3A_428 = arith.index_cast %mul3A_422 : i32 to index
        %swap3A_429 = tpu.vector_load %arg15[%swap3A_428] {strides = array<i32>} : memref<128xi32, #tpu.memory_space<vmem>>, vector<16xi32>,
        tpu.vector_store %arg15[%swap3A_428], %and3A_427 {strides = array<i32>} : memref<128xi32, #tpu.memory_space<vmem>>, vector<16xi32>,
      }
      %scan3A_44 = arith.constant 8 : i32
      %dma_start3A_45 = arith.constant 0 : i32
      %dma_start3A_46 = arith.constant 0 : i32
      %dma_start3A_47 = tpu.memref_slice %arg5[%dma_start3A_45, %dma_start3A_46] : memref<10000x64xf32, #tpu.memory_space<hbm>> -> memref<10000x64xf32, #tpu.memory_space<hbm>>
      tpu.enqueue_indirect_dma source(%dma_start3A_47 : memref<10000x64xf32, #tpu.memory_space<hbm>>) target(%arg11 : memref<128x64xf32, #tpu.memory_space<vmem>>) offsets(%arg15 : memref<128xi32, #tpu.memory_space<vmem>>) semaphore(%arg20 : memref<!tpu.dma_semaphore, #tpu.memory_space<semaphore_mem>>)
      %dma_wait3A_48 = arith.constant 0 : i32
      %dma_wait3A_49 = arith.constant 0 : i32
      %dma_wait3A_50 = tpu.memref_slice %arg5[%dma_wait3A_48, %dma_wait3A_49] : memref<10000x64xf32, #tpu.memory_space<hbm>> -> memref<10000x64xf32, #tpu.memory_space<hbm>>
      tpu.wait_indirect_dma semaphore(%arg19 : memref<!tpu.dma_semaphore, #tpu.memory_space<semaphore_mem>>) src(%dma_wait3A_50 : memref<10000x64xf32, #tpu.memory_space<hbm>>) dst(%arg10 : memref<128x64xf32, #tpu.memory_space<vmem>>)
      %gt3A = arith.constant 0 : i32
      %gt3A_51 = arith.cmpi sgt, %scan3A_35, %gt3A : i32
      %convert_element_type3A = arith.extui %gt3A_51 : i1 to i32
      %cond3A = arith.constant 0 : i32
      %cond3A_52 = arith.cmpi ne, %convert_element_type3A, %cond3A : i32
      scf.if %cond3A_52 {
        %dma_wait3A_420 = arith.constant 0 : i32
        %dma_wait3A_421 = arith.constant 0 : i32
        %dma_wait3A_422 = tpu.memref_slice %arg18[%dma_wait3A_420, %dma_wait3A_421] : memref<10240x64xf32, #tpu.memory_space<vmem_shared>> -> memref<10240x64xf32, #tpu.memory_space<vmem_shared>>
        tpu.wait_indirect_dma semaphore(%arg21 : memref<!tpu.dma_semaphore, #tpu.memory_space<semaphore_mem>>) src(%arg12 : memref<128x64xf32, #tpu.memory_space<vmem>>) dst(%dma_wait3A_422 : memref<10240x64xf32, #tpu.memory_space<vmem_shared>>)
      } else {
      }
      %get3A = arith.index_cast %mul3A_37 : i32 to index
      %get3A_53 = arith.constant 0 : index
      %get3A_54 = tpu.vector_load %arg7[%get3A, %get3A_53] {strides = array<i32>} : memref<162x128xi32, #tpu.memory_space<vmem>>, vector<16xi32>,
      %shift_right_logical3A = arith.constant 14 : i32
      %shift_right_logical3A_55 = vector.broadcast %shift_right_logical3A : i32 to vector<16xi32>
      %shift_right_logical3A_56 = arith.shrui %get3A_54, %shift_right_logical3A_55 : vector<16xi32>
      %swap3A = arith.constant 0 : index
      %swap3A_57 = tpu.vector_load %arg16[%swap3A] {strides = array<i32>} : memref<128xi32, #tpu.memory_space<vmem>>, vector<16xi32>,
      tpu.vector_store %arg16[%swap3A], %shift_right_logical3A_56 {strides = array<i32>} : memref<128xi32, #tpu.memory_space<vmem>>, vector<16xi32>,
      %gather3A = tpu.vector_load_idx %arg9[%shift_right_logical3A_56] : memref<10240xf32, #tpu.memory_space<vmem>>[vector<16xi32>], vector<16xf32>,
      %get3A_58 = arith.index_cast %mul3A_37 : i32 to index
      %get3A_59 = arith.constant 0 : index
      %get3A_60 = tpu.vector_load %arg8[%get3A_58, %get3A_59] {strides = array<i32>} : memref<162x128xf32, #tpu.memory_space<vmem>>, vector<16xf32>,
      %div3A = arith.divf %get3A_60, %gather3A : vector<16xf32>
      %add3A_61 = arith.constant 0 : i32
      %add3A_62 = vector.broadcast %add3A_61 : i32 to vector<16xi32>
      %add3A_63 = arith.addi %iota3A, %add3A_62 : vector<16xi32>
      %scan3A_64 = arith.constant 0 : i32
      %scan3A_65 = arith.constant 0 : i32
      %scan3A_66 = arith.constant 64 : i32
      %scan3A_67 = arith.addi %scan3A_65, %scan3A_66 : i32
      %scan3A_68 = arith.constant 1 : i32
      scf.for %scan3A_420 = %scan3A_65 to %scan3A_67 step %scan3A_68  : i32 {
        %broadcast_in_dim3A_421 = vector.broadcast %scan3A_420 : i32 to vector<16xi32>
        %gather3A_422 = tpu.vector_load_idx %arg10[%add3A_63, %broadcast_in_dim3A_421] : memref<128x64xf32, #tpu.memory_space<vmem>>[vector<16xi32>, vector<16xi32>], vector<16xf32>,
        %mul3A_423 = arith.mulf %gather3A_422, %div3A : vector<16xf32>
        tpu.vector_store_idx %arg12[%add3A_63, %broadcast_in_dim3A_421], %mul3A_423 : memref<128x64xf32, #tpu.memory_space<vmem>>[vector<16xi32>, vector<16xi32>], vector<16xf32>,
      }
      %scan3A_69 = arith.constant 64 : i32
      %get3A_70 = arith.index_cast %mul3A_37 : i32 to index
      %get3A_71 = arith.constant 16 : index
      %get3A_72 = tpu.vector_load %arg7[%get3A_70, %get3A_71] {strides = array<i32>} : memref<162x128xi32, #tpu.memory_space<vmem>>, vector<16xi32>,
      %shift_right_logical3A_73 = arith.constant 14 : i32
      %shift_right_logical3A_74 = vector.broadcast %shift_right_logical3A_73 : i32 to vector<16xi32>
      %shift_right_logical3A_75 = arith.shrui %get3A_72, %shift_right_logical3A_74 : vector<16xi32>
      %swap3A_76 = arith.constant 16 : index
      %swap3A_77 = tpu.vector_load %arg16[%swap3A_76] {strides = array<i32>} : memref<128xi32, #tpu.memory_space<vmem>>, vector<16xi32>,
      tpu.vector_store %arg16[%swap3A_76], %shift_right_logical3A_75 {strides = array<i32>} : memref<128xi32, #tpu.memory_space<vmem>>, vector<16xi32>,
      %gather3A_78 = tpu.vector_load_idx %arg9[%shift_right_logical3A_75] : memref<10240xf32, #tpu.memory_space<vmem>>[vector<16xi32>], vector<16xf32>,
      %get3A_79 = arith.index_cast %mul3A_37 : i32 to index
      %get3A_80 = arith.constant 16 : index
      %get3A_81 = tpu.vector_load %arg8[%get3A_79, %get3A_80] {strides = array<i32>} : memref<162x128xf32, #tpu.memory_space<vmem>>, vector<16xf32>,
      %div3A_82 = arith.divf %get3A_81, %gather3A_78 : vector<16xf32>
      %add3A_83 = arith.constant 16 : i32
      %add3A_84 = vector.broadcast %add3A_83 : i32 to vector<16xi32>
      %add3A_85 = arith.addi %iota3A, %add3A_84 : vector<16xi32>
      %scan3A_86 = arith.constant 0 : i32
      %scan3A_87 = arith.constant 0 : i32
      %scan3A_88 = arith.constant 64 : i32
      %scan3A_89 = arith.addi %scan3A_87, %scan3A_88 : i32
      %scan3A_90 = arith.constant 1 : i32
      scf.for %scan3A_420 = %scan3A_87 to %scan3A_89 step %scan3A_90  : i32 {
        %broadcast_in_dim3A_421 = vector.broadcast %scan3A_420 : i32 to vector<16xi32>
        %gather3A_422 = tpu.vector_load_idx %arg10[%add3A_85, %broadcast_in_dim3A_421] : memref<128x64xf32, #tpu.memory_space<vmem>>[vector<16xi32>, vector<16xi32>], vector<16xf32>,
        %mul3A_423 = arith.mulf %gather3A_422, %div3A_82 : vector<16xf32>
        tpu.vector_store_idx %arg12[%add3A_85, %broadcast_in_dim3A_421], %mul3A_423 : memref<128x64xf32, #tpu.memory_space<vmem>>[vector<16xi32>, vector<16xi32>], vector<16xf32>,
      }
      %scan3A_91 = arith.constant 64 : i32
      %get3A_92 = arith.index_cast %mul3A_37 : i32 to index
      %get3A_93 = arith.constant 32 : index
      %get3A_94 = tpu.vector_load %arg7[%get3A_92, %get3A_93] {strides = array<i32>} : memref<162x128xi32, #tpu.memory_space<vmem>>, vector<16xi32>,
      %shift_right_logical3A_95 = arith.constant 14 : i32
      %shift_right_logical3A_96 = vector.broadcast %shift_right_logical3A_95 : i32 to vector<16xi32>
      %shift_right_logical3A_97 = arith.shrui %get3A_94, %shift_right_logical3A_96 : vector<16xi32>
      %swap3A_98 = arith.constant 32 : index
      %swap3A_99 = tpu.vector_load %arg16[%swap3A_98] {strides = array<i32>} : memref<128xi32, #tpu.memory_space<vmem>>, vector<16xi32>,
      tpu.vector_store %arg16[%swap3A_98], %shift_right_logical3A_97 {strides = array<i32>} : memref<128xi32, #tpu.memory_space<vmem>>, vector<16xi32>,
      %gather3A_100 = tpu.vector_load_idx %arg9[%shift_right_logical3A_97] : memref<10240xf32, #tpu.memory_space<vmem>>[vector<16xi32>], vector<16xf32>,
      %get3A_101 = arith.index_cast %mul3A_37 : i32 to index
      %get3A_102 = arith.constant 32 : index
      %get3A_103 = tpu.vector_load %arg8[%get3A_101, %get3A_102] {strides = array<i32>} : memref<162x128xf32, #tpu.memory_space<vmem>>, vector<16xf32>,
      %div3A_104 = arith.divf %get3A_103, %gather3A_100 : vector<16xf32>
      %add3A_105 = arith.constant 32 : i32
      %add3A_106 = vector.broadcast %add3A_105 : i32 to vector<16xi32>
      %add3A_107 = arith.addi %iota3A, %add3A_106 : vector<16xi32>
      %scan3A_108 = arith.constant 0 : i32
      %scan3A_109 = arith.constant 0 : i32
      %scan3A_110 = arith.constant 64 : i32
      %scan3A_111 = arith.addi %scan3A_109, %scan3A_110 : i32
      %scan3A_112 = arith.constant 1 : i32
      scf.for %scan3A_420 = %scan3A_109 to %scan3A_111 step %scan3A_112  : i32 {
        %broadcast_in_dim3A_421 = vector.broadcast %scan3A_420 : i32 to vector<16xi32>
        %gather3A_422 = tpu.vector_load_idx %arg10[%add3A_107, %broadcast_in_dim3A_421] : memref<128x64xf32, #tpu.memory_space<vmem>>[vector<16xi32>, vector<16xi32>], vector<16xf32>,
        %mul3A_423 = arith.mulf %gather3A_422, %div3A_104 : vector<16xf32>
        tpu.vector_store_idx %arg12[%add3A_107, %broadcast_in_dim3A_421], %mul3A_423 : memref<128x64xf32, #tpu.memory_space<vmem>>[vector<16xi32>, vector<16xi32>], vector<16xf32>,
      }
      %scan3A_113 = arith.constant 64 : i32
      %get3A_114 = arith.index_cast %mul3A_37 : i32 to index
      %get3A_115 = arith.constant 48 : index
      %get3A_116 = tpu.vector_load %arg7[%get3A_114, %get3A_115] {strides = array<i32>} : memref<162x128xi32, #tpu.memory_space<vmem>>, vector<16xi32>,
      %shift_right_logical3A_117 = arith.constant 14 : i32
      %shift_right_logical3A_118 = vector.broadcast %shift_right_logical3A_117 : i32 to vector<16xi32>
      %shift_right_logical3A_119 = arith.shrui %get3A_116, %shift_right_logical3A_118 : vector<16xi32>
      %swap3A_120 = arith.constant 48 : index
      %swap3A_121 = tpu.vector_load %arg16[%swap3A_120] {strides = array<i32>} : memref<128xi32, #tpu.memory_space<vmem>>, vector<16xi32>,
      tpu.vector_store %arg16[%swap3A_120], %shift_right_logical3A_119 {strides = array<i32>} : memref<128xi32, #tpu.memory_space<vmem>>, vector<16xi32>,
      %gather3A_122 = tpu.vector_load_idx %arg9[%shift_right_logical3A_119] : memref<10240xf32, #tpu.memory_space<vmem>>[vector<16xi32>], vector<16xf32>,
      %get3A_123 = arith.index_cast %mul3A_37 : i32 to index
      %get3A_124 = arith.constant 48 : index
      %get3A_125 = tpu.vector_load %arg8[%get3A_123, %get3A_124] {strides = array<i32>} : memref<162x128xf32, #tpu.memory_space<vmem>>, vector<16xf32>,
      %div3A_126 = arith.divf %get3A_125, %gather3A_122 : vector<16xf32>
      %add3A_127 = arith.constant 48 : i32
      %add3A_128 = vector.broadcast %add3A_127 : i32 to vector<16xi32>
      %add3A_129 = arith.addi %iota3A, %add3A_128 : vector<16xi32>
      %scan3A_130 = arith.constant 0 : i32
      %scan3A_131 = arith.constant 0 : i32
      %scan3A_132 = arith.constant 64 : i32
      %scan3A_133 = arith.addi %scan3A_131, %scan3A_132 : i32
      %scan3A_134 = arith.constant 1 : i32
      scf.for %scan3A_420 = %scan3A_131 to %scan3A_133 step %scan3A_134  : i32 {
        %broadcast_in_dim3A_421 = vector.broadcast %scan3A_420 : i32 to vector<16xi32>
        %gather3A_422 = tpu.vector_load_idx %arg10[%add3A_129, %broadcast_in_dim3A_421] : memref<128x64xf32, #tpu.memory_space<vmem>>[vector<16xi32>, vector<16xi32>], vector<16xf32>,
        %mul3A_423 = arith.mulf %gather3A_422, %div3A_126 : vector<16xf32>
        tpu.vector_store_idx %arg12[%add3A_129, %broadcast_in_dim3A_421], %mul3A_423 : memref<128x64xf32, #tpu.memory_space<vmem>>[vector<16xi32>, vector<16xi32>], vector<16xf32>,
      }
      %scan3A_135 = arith.constant 64 : i32
      %get3A_136 = arith.index_cast %mul3A_37 : i32 to index
      %get3A_137 = arith.constant 64 : index
      %get3A_138 = tpu.vector_load %arg7[%get3A_136, %get3A_137] {strides = array<i32>} : memref<162x128xi32, #tpu.memory_space<vmem>>, vector<16xi32>,
      %shift_right_logical3A_139 = arith.constant 14 : i32
      %shift_right_logical3A_140 = vector.broadcast %shift_right_logical3A_139 : i32 to vector<16xi32>
      %shift_right_logical3A_141 = arith.shrui %get3A_138, %shift_right_logical3A_140 : vector<16xi32>
      %swap3A_142 = arith.constant 64 : index
      %swap3A_143 = tpu.vector_load %arg16[%swap3A_142] {strides = array<i32>} : memref<128xi32, #tpu.memory_space<vmem>>, vector<16xi32>,
      tpu.vector_store %arg16[%swap3A_142], %shift_right_logical3A_141 {strides = array<i32>} : memref<128xi32, #tpu.memory_space<vmem>>, vector<16xi32>,
      %gather3A_144 = tpu.vector_load_idx %arg9[%shift_right_logical3A_141] : memref<10240xf32, #tpu.memory_space<vmem>>[vector<16xi32>], vector<16xf32>,
      %get3A_145 = arith.index_cast %mul3A_37 : i32 to index
      %get3A_146 = arith.constant 64 : index
      %get3A_147 = tpu.vector_load %arg8[%get3A_145, %get3A_146] {strides = array<i32>} : memref<162x128xf32, #tpu.memory_space<vmem>>, vector<16xf32>,
      %div3A_148 = arith.divf %get3A_147, %gather3A_144 : vector<16xf32>
      %add3A_149 = arith.constant 64 : i32
      %add3A_150 = vector.broadcast %add3A_149 : i32 to vector<16xi32>
      %add3A_151 = arith.addi %iota3A, %add3A_150 : vector<16xi32>
      %scan3A_152 = arith.constant 0 : i32
      %scan3A_153 = arith.constant 0 : i32
      %scan3A_154 = arith.constant 64 : i32
      %scan3A_155 = arith.addi %scan3A_153, %scan3A_154 : i32
      %scan3A_156 = arith.constant 1 : i32
      scf.for %scan3A_420 = %scan3A_153 to %scan3A_155 step %scan3A_156  : i32 {
        %broadcast_in_dim3A_421 = vector.broadcast %scan3A_420 : i32 to vector<16xi32>
        %gather3A_422 = tpu.vector_load_idx %arg10[%add3A_151, %broadcast_in_dim3A_421] : memref<128x64xf32, #tpu.memory_space<vmem>>[vector<16xi32>, vector<16xi32>], vector<16xf32>,
        %mul3A_423 = arith.mulf %gather3A_422, %div3A_148 : vector<16xf32>
        tpu.vector_store_idx %arg12[%add3A_151, %broadcast_in_dim3A_421], %mul3A_423 : memref<128x64xf32, #tpu.memory_space<vmem>>[vector<16xi32>, vector<16xi32>], vector<16xf32>,
      }
      %scan3A_157 = arith.constant 64 : i32
      %get3A_158 = arith.index_cast %mul3A_37 : i32 to index
      %get3A_159 = arith.constant 80 : index
      %get3A_160 = tpu.vector_load %arg7[%get3A_158, %get3A_159] {strides = array<i32>} : memref<162x128xi32, #tpu.memory_space<vmem>>, vector<16xi32>,
      %shift_right_logical3A_161 = arith.constant 14 : i32
      %shift_right_logical3A_162 = vector.broadcast %shift_right_logical3A_161 : i32 to vector<16xi32>
      %shift_right_logical3A_163 = arith.shrui %get3A_160, %shift_right_logical3A_162 : vector<16xi32>
      %swap3A_164 = arith.constant 80 : index
      %swap3A_165 = tpu.vector_load %arg16[%swap3A_164] {strides = array<i32>} : memref<128xi32, #tpu.memory_space<vmem>>, vector<16xi32>,
      tpu.vector_store %arg16[%swap3A_164], %shift_right_logical3A_163 {strides = array<i32>} : memref<128xi32, #tpu.memory_space<vmem>>, vector<16xi32>,
      %gather3A_166 = tpu.vector_load_idx %arg9[%shift_right_logical3A_163] : memref<10240xf32, #tpu.memory_space<vmem>>[vector<16xi32>], vector<16xf32>,
      %get3A_167 = arith.index_cast %mul3A_37 : i32 to index
      %get3A_168 = arith.constant 80 : index
      %get3A_169 = tpu.vector_load %arg8[%get3A_167, %get3A_168] {strides = array<i32>} : memref<162x128xf32, #tpu.memory_space<vmem>>, vector<16xf32>,
      %div3A_170 = arith.divf %get3A_169, %gather3A_166 : vector<16xf32>
      %add3A_171 = arith.constant 80 : i32
      %add3A_172 = vector.broadcast %add3A_171 : i32 to vector<16xi32>
      %add3A_173 = arith.addi %iota3A, %add3A_172 : vector<16xi32>
      %scan3A_174 = arith.constant 0 : i32
      %scan3A_175 = arith.constant 0 : i32
      %scan3A_176 = arith.constant 64 : i32
      %scan3A_177 = arith.addi %scan3A_175, %scan3A_176 : i32
      %scan3A_178 = arith.constant 1 : i32
      scf.for %scan3A_420 = %scan3A_175 to %scan3A_177 step %scan3A_178  : i32 {
        %broadcast_in_dim3A_421 = vector.broadcast %scan3A_420 : i32 to vector<16xi32>
        %gather3A_422 = tpu.vector_load_idx %arg10[%add3A_173, %broadcast_in_dim3A_421] : memref<128x64xf32, #tpu.memory_space<vmem>>[vector<16xi32>, vector<16xi32>], vector<16xf32>,
        %mul3A_423 = arith.mulf %gather3A_422, %div3A_170 : vector<16xf32>
        tpu.vector_store_idx %arg12[%add3A_173, %broadcast_in_dim3A_421], %mul3A_423 : memref<128x64xf32, #tpu.memory_space<vmem>>[vector<16xi32>, vector<16xi32>], vector<16xf32>,
      }
      %scan3A_179 = arith.constant 64 : i32
      %get3A_180 = arith.index_cast %mul3A_37 : i32 to index
      %get3A_181 = arith.constant 96 : index
      %get3A_182 = tpu.vector_load %arg7[%get3A_180, %get3A_181] {strides = array<i32>} : memref<162x128xi32, #tpu.memory_space<vmem>>, vector<16xi32>,
      %shift_right_logical3A_183 = arith.constant 14 : i32
      %shift_right_logical3A_184 = vector.broadcast %shift_right_logical3A_183 : i32 to vector<16xi32>
      %shift_right_logical3A_185 = arith.shrui %get3A_182, %shift_right_logical3A_184 : vector<16xi32>
      %swap3A_186 = arith.constant 96 : index
      %swap3A_187 = tpu.vector_load %arg16[%swap3A_186] {strides = array<i32>} : memref<128xi32, #tpu.memory_space<vmem>>, vector<16xi32>,
      tpu.vector_store %arg16[%swap3A_186], %shift_right_logical3A_185 {strides = array<i32>} : memref<128xi32, #tpu.memory_space<vmem>>, vector<16xi32>,
      %gather3A_188 = tpu.vector_load_idx %arg9[%shift_right_logical3A_185] : memref<10240xf32, #tpu.memory_space<vmem>>[vector<16xi32>], vector<16xf32>,
      %get3A_189 = arith.index_cast %mul3A_37 : i32 to index
      %get3A_190 = arith.constant 96 : index
      %get3A_191 = tpu.vector_load %arg8[%get3A_189, %get3A_190] {strides = array<i32>} : memref<162x128xf32, #tpu.memory_space<vmem>>, vector<16xf32>,
      %div3A_192 = arith.divf %get3A_191, %gather3A_188 : vector<16xf32>
      %add3A_193 = arith.constant 96 : i32
      %add3A_194 = vector.broadcast %add3A_193 : i32 to vector<16xi32>
      %add3A_195 = arith.addi %iota3A, %add3A_194 : vector<16xi32>
      %scan3A_196 = arith.constant 0 : i32
      %scan3A_197 = arith.constant 0 : i32
      %scan3A_198 = arith.constant 64 : i32
      %scan3A_199 = arith.addi %scan3A_197, %scan3A_198 : i32
      %scan3A_200 = arith.constant 1 : i32
      scf.for %scan3A_420 = %scan3A_197 to %scan3A_199 step %scan3A_200  : i32 {
        %broadcast_in_dim3A_421 = vector.broadcast %scan3A_420 : i32 to vector<16xi32>
        %gather3A_422 = tpu.vector_load_idx %arg10[%add3A_195, %broadcast_in_dim3A_421] : memref<128x64xf32, #tpu.memory_space<vmem>>[vector<16xi32>, vector<16xi32>], vector<16xf32>,
        %mul3A_423 = arith.mulf %gather3A_422, %div3A_192 : vector<16xf32>
        tpu.vector_store_idx %arg12[%add3A_195, %broadcast_in_dim3A_421], %mul3A_423 : memref<128x64xf32, #tpu.memory_space<vmem>>[vector<16xi32>, vector<16xi32>], vector<16xf32>,
      }
      %scan3A_201 = arith.constant 64 : i32
      %get3A_202 = arith.index_cast %mul3A_37 : i32 to index
      %get3A_203 = arith.constant 112 : index
      %get3A_204 = tpu.vector_load %arg7[%get3A_202, %get3A_203] {strides = array<i32>} : memref<162x128xi32, #tpu.memory_space<vmem>>, vector<16xi32>,
      %shift_right_logical3A_205 = arith.constant 14 : i32
      %shift_right_logical3A_206 = vector.broadcast %shift_right_logical3A_205 : i32 to vector<16xi32>
      %shift_right_logical3A_207 = arith.shrui %get3A_204, %shift_right_logical3A_206 : vector<16xi32>
      %swap3A_208 = arith.constant 112 : index
      %swap3A_209 = tpu.vector_load %arg16[%swap3A_208] {strides = array<i32>} : memref<128xi32, #tpu.memory_space<vmem>>, vector<16xi32>,
      tpu.vector_store %arg16[%swap3A_208], %shift_right_logical3A_207 {strides = array<i32>} : memref<128xi32, #tpu.memory_space<vmem>>, vector<16xi32>,
      %gather3A_210 = tpu.vector_load_idx %arg9[%shift_right_logical3A_207] : memref<10240xf32, #tpu.memory_space<vmem>>[vector<16xi32>], vector<16xf32>,
      %get3A_211 = arith.index_cast %mul3A_37 : i32 to index
      %get3A_212 = arith.constant 112 : index
      %get3A_213 = tpu.vector_load %arg8[%get3A_211, %get3A_212] {strides = array<i32>} : memref<162x128xf32, #tpu.memory_space<vmem>>, vector<16xf32>,
      %div3A_214 = arith.divf %get3A_213, %gather3A_210 : vector<16xf32>
      %add3A_215 = arith.constant 112 : i32
      %add3A_216 = vector.broadcast %add3A_215 : i32 to vector<16xi32>
      %add3A_217 = arith.addi %iota3A, %add3A_216 : vector<16xi32>
      %scan3A_218 = arith.constant 0 : i32
      %scan3A_219 = arith.constant 0 : i32
      %scan3A_220 = arith.constant 64 : i32
      %scan3A_221 = arith.addi %scan3A_219, %scan3A_220 : i32
      %scan3A_222 = arith.constant 1 : i32
      scf.for %scan3A_420 = %scan3A_219 to %scan3A_221 step %scan3A_222  : i32 {
        %broadcast_in_dim3A_421 = vector.broadcast %scan3A_420 : i32 to vector<16xi32>
        %gather3A_422 = tpu.vector_load_idx %arg10[%add3A_217, %broadcast_in_dim3A_421] : memref<128x64xf32, #tpu.memory_space<vmem>>[vector<16xi32>, vector<16xi32>], vector<16xf32>,
        %mul3A_423 = arith.mulf %gather3A_422, %div3A_214 : vector<16xf32>
        tpu.vector_store_idx %arg12[%add3A_217, %broadcast_in_dim3A_421], %mul3A_423 : memref<128x64xf32, #tpu.memory_space<vmem>>[vector<16xi32>, vector<16xi32>], vector<16xf32>,
      }
      %scan3A_223 = arith.constant 64 : i32
      %dma_start3A_224 = arith.constant 0 : i32
      %dma_start3A_225 = arith.constant 0 : i32
      %dma_start3A_226 = tpu.memref_slice %arg18[%dma_start3A_224, %dma_start3A_225] : memref<10240x64xf32, #tpu.memory_space<vmem_shared>> -> memref<10240x64xf32, #tpu.memory_space<vmem_shared>>
      tpu.enqueue_indirect_dma source(%arg12 : memref<128x64xf32, #tpu.memory_space<vmem>>) target(%dma_start3A_226 : memref<10240x64xf32, #tpu.memory_space<vmem_shared>>) offsets(%arg16 : memref<128xi32, #tpu.memory_space<vmem>>) semaphore(%arg21 : memref<!tpu.dma_semaphore, #tpu.memory_space<semaphore_mem>>) {add = true}
      %lt3A = arith.constant 80 : i32
      %lt3A_227 = arith.cmpi slt, %scan3A_35, %lt3A : i32
      %convert_element_type3A_228 = arith.extui %lt3A_227 : i1 to i32
      %cond3A_229 = arith.constant 0 : i32
      %cond3A_230 = arith.cmpi ne, %convert_element_type3A_228, %cond3A_229 : i32
      scf.if %cond3A_230 {
        %add3A_420 = arith.constant 2 : i32
        %add3A_421 = arith.addi %mul3A_37, %add3A_420 : i32
        %scan3A_422 = arith.constant 0 : i32
        %scan3A_423 = arith.constant 0 : i32
        %scan3A_424 = arith.constant 8 : i32
        %scan3A_425 = arith.addi %scan3A_423, %scan3A_424 : i32
        %scan3A_426 = arith.constant 1 : i32
        scf.for %scan3A_431 = %scan3A_423 to %scan3A_425 step %scan3A_426  : i32 {
          %mul3A_432 = arith.constant 16 : i32
          %mul3A_433 = arith.muli %scan3A_431, %mul3A_432 : i32
          %get3A_434 = arith.index_cast %add3A_421 : i32 to index
          %get3A_435 = arith.index_cast %mul3A_433 : i32 to index
          %get3A_436 = tpu.vector_load %arg7[%get3A_434, %get3A_435] {strides = array<i32>} : memref<162x128xi32, #tpu.memory_space<vmem>>, vector<16xi32>,
          %and3A = arith.constant 16383 : i32
          %and3A_437 = vector.broadcast %and3A : i32 to vector<16xi32>
          %and3A_438 = arith.andi %get3A_436, %and3A_437 : vector<16xi32>
          %swap3A_439 = arith.index_cast %mul3A_433 : i32 to index
          %swap3A_440 = tpu.vector_load %arg14[%swap3A_439] {strides = array<i32>} : memref<128xi32, #tpu.memory_space<vmem>>, vector<16xi32>,
          tpu.vector_store %arg14[%swap3A_439], %and3A_438 {strides = array<i32>} : memref<128xi32, #tpu.memory_space<vmem>>, vector<16xi32>,
        }
        %scan3A_427 = arith.constant 8 : i32
        %dma_start3A_428 = arith.constant 0 : i32
        %dma_start3A_429 = arith.constant 0 : i32
        %dma_start3A_430 = tpu.memref_slice %arg5[%dma_start3A_428, %dma_start3A_429] : memref<10000x64xf32, #tpu.memory_space<hbm>> -> memref<10000x64xf32, #tpu.memory_space<hbm>>
        tpu.enqueue_indirect_dma source(%dma_start3A_430 : memref<10000x64xf32, #tpu.memory_space<hbm>>) target(%arg10 : memref<128x64xf32, #tpu.memory_space<vmem>>) offsets(%arg14 : memref<128xi32, #tpu.memory_space<vmem>>) semaphore(%arg19 : memref<!tpu.dma_semaphore, #tpu.memory_space<semaphore_mem>>)
      } else {
      }
      %dma_wait3A_231 = arith.constant 0 : i32
      %dma_wait3A_232 = arith.constant 0 : i32
      %dma_wait3A_233 = tpu.memref_slice %arg5[%dma_wait3A_231, %dma_wait3A_232] : memref<10000x64xf32, #tpu.memory_space<hbm>> -> memref<10000x64xf32, #tpu.memory_space<hbm>>
      tpu.wait_indirect_dma semaphore(%arg20 : memref<!tpu.dma_semaphore, #tpu.memory_space<semaphore_mem>>) src(%dma_wait3A_233 : memref<10000x64xf32, #tpu.memory_space<hbm>>) dst(%arg11 : memref<128x64xf32, #tpu.memory_space<vmem>>)
      %add3A_234 = arith.constant 1 : i32
      %add3A_235 = arith.addi %mul3A_37, %add3A_234 : i32
      %gt3A_236 = arith.constant 0 : i32
      %gt3A_237 = arith.cmpi sgt, %scan3A_35, %gt3A_236 : i32
      %convert_element_type3A_238 = arith.extui %gt3A_237 : i1 to i32
      %cond3A_239 = arith.constant 0 : i32
      %cond3A_240 = arith.cmpi ne, %convert_element_type3A_238, %cond3A_239 : i32
      scf.if %cond3A_240 {
        %dma_wait3A_420 = arith.constant 0 : i32
        %dma_wait3A_421 = arith.constant 0 : i32
        %dma_wait3A_422 = tpu.memref_slice %arg18[%dma_wait3A_420, %dma_wait3A_421] : memref<10240x64xf32, #tpu.memory_space<vmem_shared>> -> memref<10240x64xf32, #tpu.memory_space<vmem_shared>>
        tpu.wait_indirect_dma semaphore(%arg22 : memref<!tpu.dma_semaphore, #tpu.memory_space<semaphore_mem>>) src(%arg13 : memref<128x64xf32, #tpu.memory_space<vmem>>) dst(%dma_wait3A_422 : memref<10240x64xf32, #tpu.memory_space<vmem_shared>>)
      } else {
      }
      %get3A_241 = arith.index_cast %add3A_235 : i32 to index
      %get3A_242 = arith.constant 0 : index
      %get3A_243 = tpu.vector_load %arg7[%get3A_241, %get3A_242] {strides = array<i32>} : memref<162x128xi32, #tpu.memory_space<vmem>>, vector<16xi32>,
      %shift_right_logical3A_244 = arith.constant 14 : i32
      %shift_right_logical3A_245 = vector.broadcast %shift_right_logical3A_244 : i32 to vector<16xi32>
      %shift_right_logical3A_246 = arith.shrui %get3A_243, %shift_right_logical3A_245 : vector<16xi32>
      %swap3A_247 = arith.constant 0 : index
      %swap3A_248 = tpu.vector_load %arg17[%swap3A_247] {strides = array<i32>} : memref<128xi32, #tpu.memory_space<vmem>>, vector<16xi32>,
      tpu.vector_store %arg17[%swap3A_247], %shift_right_logical3A_246 {strides = array<i32>} : memref<128xi32, #tpu.memory_space<vmem>>, vector<16xi32>,
      %gather3A_249 = tpu.vector_load_idx %arg9[%shift_right_logical3A_246] : memref<10240xf32, #tpu.memory_space<vmem>>[vector<16xi32>], vector<16xf32>,
      %get3A_250 = arith.index_cast %add3A_235 : i32 to index
      %get3A_251 = arith.constant 0 : index
      %get3A_252 = tpu.vector_load %arg8[%get3A_250, %get3A_251] {strides = array<i32>} : memref<162x128xf32, #tpu.memory_space<vmem>>, vector<16xf32>,
      %div3A_253 = arith.divf %get3A_252, %gather3A_249 : vector<16xf32>
      %add3A_254 = arith.constant 0 : i32
      %add3A_255 = vector.broadcast %add3A_254 : i32 to vector<16xi32>
      %add3A_256 = arith.addi %iota3A, %add3A_255 : vector<16xi32>
      %scan3A_257 = arith.constant 0 : i32
      %scan3A_258 = arith.constant 0 : i32
      %scan3A_259 = arith.constant 64 : i32
      %scan3A_260 = arith.addi %scan3A_258, %scan3A_259 : i32
      %scan3A_261 = arith.constant 1 : i32
      scf.for %scan3A_420 = %scan3A_258 to %scan3A_260 step %scan3A_261  : i32 {
        %broadcast_in_dim3A_421 = vector.broadcast %scan3A_420 : i32 to vector<16xi32>
        %gather3A_422 = tpu.vector_load_idx %arg11[%add3A_256, %broadcast_in_dim3A_421] : memref<128x64xf32, #tpu.memory_space<vmem>>[vector<16xi32>, vector<16xi32>], vector<16xf32>,
        %mul3A_423 = arith.mulf %gather3A_422, %div3A_253 : vector<16xf32>
        tpu.vector_store_idx %arg13[%add3A_256, %broadcast_in_dim3A_421], %mul3A_423 : memref<128x64xf32, #tpu.memory_space<vmem>>[vector<16xi32>, vector<16xi32>], vector<16xf32>,
      }
      %scan3A_262 = arith.constant 64 : i32
      %get3A_263 = arith.index_cast %add3A_235 : i32 to index
      %get3A_264 = arith.constant 16 : index
      %get3A_265 = tpu.vector_load %arg7[%get3A_263, %get3A_264] {strides = array<i32>} : memref<162x128xi32, #tpu.memory_space<vmem>>, vector<16xi32>,
      %shift_right_logical3A_266 = arith.constant 14 : i32
      %shift_right_logical3A_267 = vector.broadcast %shift_right_logical3A_266 : i32 to vector<16xi32>
      %shift_right_logical3A_268 = arith.shrui %get3A_265, %shift_right_logical3A_267 : vector<16xi32>
      %swap3A_269 = arith.constant 16 : index
      %swap3A_270 = tpu.vector_load %arg17[%swap3A_269] {strides = array<i32>} : memref<128xi32, #tpu.memory_space<vmem>>, vector<16xi32>,
      tpu.vector_store %arg17[%swap3A_269], %shift_right_logical3A_268 {strides = array<i32>} : memref<128xi32, #tpu.memory_space<vmem>>, vector<16xi32>,
      %gather3A_271 = tpu.vector_load_idx %arg9[%shift_right_logical3A_268] : memref<10240xf32, #tpu.memory_space<vmem>>[vector<16xi32>], vector<16xf32>,
      %get3A_272 = arith.index_cast %add3A_235 : i32 to index
      %get3A_273 = arith.constant 16 : index
      %get3A_274 = tpu.vector_load %arg8[%get3A_272, %get3A_273] {strides = array<i32>} : memref<162x128xf32, #tpu.memory_space<vmem>>, vector<16xf32>,
      %div3A_275 = arith.divf %get3A_274, %gather3A_271 : vector<16xf32>
      %add3A_276 = arith.constant 16 : i32
      %add3A_277 = vector.broadcast %add3A_276 : i32 to vector<16xi32>
      %add3A_278 = arith.addi %iota3A, %add3A_277 : vector<16xi32>
      %scan3A_279 = arith.constant 0 : i32
      %scan3A_280 = arith.constant 0 : i32
      %scan3A_281 = arith.constant 64 : i32
      %scan3A_282 = arith.addi %scan3A_280, %scan3A_281 : i32
      %scan3A_283 = arith.constant 1 : i32
      scf.for %scan3A_420 = %scan3A_280 to %scan3A_282 step %scan3A_283  : i32 {
        %broadcast_in_dim3A_421 = vector.broadcast %scan3A_420 : i32 to vector<16xi32>
        %gather3A_422 = tpu.vector_load_idx %arg11[%add3A_278, %broadcast_in_dim3A_421] : memref<128x64xf32, #tpu.memory_space<vmem>>[vector<16xi32>, vector<16xi32>], vector<16xf32>,
        %mul3A_423 = arith.mulf %gather3A_422, %div3A_275 : vector<16xf32>
        tpu.vector_store_idx %arg13[%add3A_278, %broadcast_in_dim3A_421], %mul3A_423 : memref<128x64xf32, #tpu.memory_space<vmem>>[vector<16xi32>, vector<16xi32>], vector<16xf32>,
      }
      %scan3A_284 = arith.constant 64 : i32
      %get3A_285 = arith.index_cast %add3A_235 : i32 to index
      %get3A_286 = arith.constant 32 : index
      %get3A_287 = tpu.vector_load %arg7[%get3A_285, %get3A_286] {strides = array<i32>} : memref<162x128xi32, #tpu.memory_space<vmem>>, vector<16xi32>,
      %shift_right_logical3A_288 = arith.constant 14 : i32
      %shift_right_logical3A_289 = vector.broadcast %shift_right_logical3A_288 : i32 to vector<16xi32>
      %shift_right_logical3A_290 = arith.shrui %get3A_287, %shift_right_logical3A_289 : vector<16xi32>
      %swap3A_291 = arith.constant 32 : index
      %swap3A_292 = tpu.vector_load %arg17[%swap3A_291] {strides = array<i32>} : memref<128xi32, #tpu.memory_space<vmem>>, vector<16xi32>,
      tpu.vector_store %arg17[%swap3A_291], %shift_right_logical3A_290 {strides = array<i32>} : memref<128xi32, #tpu.memory_space<vmem>>, vector<16xi32>,
      %gather3A_293 = tpu.vector_load_idx %arg9[%shift_right_logical3A_290] : memref<10240xf32, #tpu.memory_space<vmem>>[vector<16xi32>], vector<16xf32>,
      %get3A_294 = arith.index_cast %add3A_235 : i32 to index
      %get3A_295 = arith.constant 32 : index
      %get3A_296 = tpu.vector_load %arg8[%get3A_294, %get3A_295] {strides = array<i32>} : memref<162x128xf32, #tpu.memory_space<vmem>>, vector<16xf32>,
      %div3A_297 = arith.divf %get3A_296, %gather3A_293 : vector<16xf32>
      %add3A_298 = arith.constant 32 : i32
      %add3A_299 = vector.broadcast %add3A_298 : i32 to vector<16xi32>
      %add3A_300 = arith.addi %iota3A, %add3A_299 : vector<16xi32>
      %scan3A_301 = arith.constant 0 : i32
      %scan3A_302 = arith.constant 0 : i32
      %scan3A_303 = arith.constant 64 : i32
      %scan3A_304 = arith.addi %scan3A_302, %scan3A_303 : i32
      %scan3A_305 = arith.constant 1 : i32
      scf.for %scan3A_420 = %scan3A_302 to %scan3A_304 step %scan3A_305  : i32 {
        %broadcast_in_dim3A_421 = vector.broadcast %scan3A_420 : i32 to vector<16xi32>
        %gather3A_422 = tpu.vector_load_idx %arg11[%add3A_300, %broadcast_in_dim3A_421] : memref<128x64xf32, #tpu.memory_space<vmem>>[vector<16xi32>, vector<16xi32>], vector<16xf32>,
        %mul3A_423 = arith.mulf %gather3A_422, %div3A_297 : vector<16xf32>
        tpu.vector_store_idx %arg13[%add3A_300, %broadcast_in_dim3A_421], %mul3A_423 : memref<128x64xf32, #tpu.memory_space<vmem>>[vector<16xi32>, vector<16xi32>], vector<16xf32>,
      }
      %scan3A_306 = arith.constant 64 : i32
      %get3A_307 = arith.index_cast %add3A_235 : i32 to index
      %get3A_308 = arith.constant 48 : index
      %get3A_309 = tpu.vector_load %arg7[%get3A_307, %get3A_308] {strides = array<i32>} : memref<162x128xi32, #tpu.memory_space<vmem>>, vector<16xi32>,
      %shift_right_logical3A_310 = arith.constant 14 : i32
      %shift_right_logical3A_311 = vector.broadcast %shift_right_logical3A_310 : i32 to vector<16xi32>
      %shift_right_logical3A_312 = arith.shrui %get3A_309, %shift_right_logical3A_311 : vector<16xi32>
      %swap3A_313 = arith.constant 48 : index
      %swap3A_314 = tpu.vector_load %arg17[%swap3A_313] {strides = array<i32>} : memref<128xi32, #tpu.memory_space<vmem>>, vector<16xi32>,
      tpu.vector_store %arg17[%swap3A_313], %shift_right_logical3A_312 {strides = array<i32>} : memref<128xi32, #tpu.memory_space<vmem>>, vector<16xi32>,
      %gather3A_315 = tpu.vector_load_idx %arg9[%shift_right_logical3A_312] : memref<10240xf32, #tpu.memory_space<vmem>>[vector<16xi32>], vector<16xf32>,
      %get3A_316 = arith.index_cast %add3A_235 : i32 to index
      %get3A_317 = arith.constant 48 : index
      %get3A_318 = tpu.vector_load %arg8[%get3A_316, %get3A_317] {strides = array<i32>} : memref<162x128xf32, #tpu.memory_space<vmem>>, vector<16xf32>,
      %div3A_319 = arith.divf %get3A_318, %gather3A_315 : vector<16xf32>
      %add3A_320 = arith.constant 48 : i32
      %add3A_321 = vector.broadcast %add3A_320 : i32 to vector<16xi32>
      %add3A_322 = arith.addi %iota3A, %add3A_321 : vector<16xi32>
      %scan3A_323 = arith.constant 0 : i32
      %scan3A_324 = arith.constant 0 : i32
      %scan3A_325 = arith.constant 64 : i32
      %scan3A_326 = arith.addi %scan3A_324, %scan3A_325 : i32
      %scan3A_327 = arith.constant 1 : i32
      scf.for %scan3A_420 = %scan3A_324 to %scan3A_326 step %scan3A_327  : i32 {
        %broadcast_in_dim3A_421 = vector.broadcast %scan3A_420 : i32 to vector<16xi32>
        %gather3A_422 = tpu.vector_load_idx %arg11[%add3A_322, %broadcast_in_dim3A_421] : memref<128x64xf32, #tpu.memory_space<vmem>>[vector<16xi32>, vector<16xi32>], vector<16xf32>,
        %mul3A_423 = arith.mulf %gather3A_422, %div3A_319 : vector<16xf32>
        tpu.vector_store_idx %arg13[%add3A_322, %broadcast_in_dim3A_421], %mul3A_423 : memref<128x64xf32, #tpu.memory_space<vmem>>[vector<16xi32>, vector<16xi32>], vector<16xf32>,
      }
      %scan3A_328 = arith.constant 64 : i32
      %get3A_329 = arith.index_cast %add3A_235 : i32 to index
      %get3A_330 = arith.constant 64 : index
      %get3A_331 = tpu.vector_load %arg7[%get3A_329, %get3A_330] {strides = array<i32>} : memref<162x128xi32, #tpu.memory_space<vmem>>, vector<16xi32>,
      %shift_right_logical3A_332 = arith.constant 14 : i32
      %shift_right_logical3A_333 = vector.broadcast %shift_right_logical3A_332 : i32 to vector<16xi32>
      %shift_right_logical3A_334 = arith.shrui %get3A_331, %shift_right_logical3A_333 : vector<16xi32>
      %swap3A_335 = arith.constant 64 : index
      %swap3A_336 = tpu.vector_load %arg17[%swap3A_335] {strides = array<i32>} : memref<128xi32, #tpu.memory_space<vmem>>, vector<16xi32>,
      tpu.vector_store %arg17[%swap3A_335], %shift_right_logical3A_334 {strides = array<i32>} : memref<128xi32, #tpu.memory_space<vmem>>, vector<16xi32>,
      %gather3A_337 = tpu.vector_load_idx %arg9[%shift_right_logical3A_334] : memref<10240xf32, #tpu.memory_space<vmem>>[vector<16xi32>], vector<16xf32>,
      %get3A_338 = arith.index_cast %add3A_235 : i32 to index
      %get3A_339 = arith.constant 64 : index
      %get3A_340 = tpu.vector_load %arg8[%get3A_338, %get3A_339] {strides = array<i32>} : memref<162x128xf32, #tpu.memory_space<vmem>>, vector<16xf32>,
      %div3A_341 = arith.divf %get3A_340, %gather3A_337 : vector<16xf32>
      %add3A_342 = arith.constant 64 : i32
      %add3A_343 = vector.broadcast %add3A_342 : i32 to vector<16xi32>
      %add3A_344 = arith.addi %iota3A, %add3A_343 : vector<16xi32>
      %scan3A_345 = arith.constant 0 : i32
      %scan3A_346 = arith.constant 0 : i32
      %scan3A_347 = arith.constant 64 : i32
      %scan3A_348 = arith.addi %scan3A_346, %scan3A_347 : i32
      %scan3A_349 = arith.constant 1 : i32
      scf.for %scan3A_420 = %scan3A_346 to %scan3A_348 step %scan3A_349  : i32 {
        %broadcast_in_dim3A_421 = vector.broadcast %scan3A_420 : i32 to vector<16xi32>
        %gather3A_422 = tpu.vector_load_idx %arg11[%add3A_344, %broadcast_in_dim3A_421] : memref<128x64xf32, #tpu.memory_space<vmem>>[vector<16xi32>, vector<16xi32>], vector<16xf32>,
        %mul3A_423 = arith.mulf %gather3A_422, %div3A_341 : vector<16xf32>
        tpu.vector_store_idx %arg13[%add3A_344, %broadcast_in_dim3A_421], %mul3A_423 : memref<128x64xf32, #tpu.memory_space<vmem>>[vector<16xi32>, vector<16xi32>], vector<16xf32>,
      }
      %scan3A_350 = arith.constant 64 : i32
      %get3A_351 = arith.index_cast %add3A_235 : i32 to index
      %get3A_352 = arith.constant 80 : index
      %get3A_353 = tpu.vector_load %arg7[%get3A_351, %get3A_352] {strides = array<i32>} : memref<162x128xi32, #tpu.memory_space<vmem>>, vector<16xi32>,
      %shift_right_logical3A_354 = arith.constant 14 : i32
      %shift_right_logical3A_355 = vector.broadcast %shift_right_logical3A_354 : i32 to vector<16xi32>
      %shift_right_logical3A_356 = arith.shrui %get3A_353, %shift_right_logical3A_355 : vector<16xi32>
      %swap3A_357 = arith.constant 80 : index
      %swap3A_358 = tpu.vector_load %arg17[%swap3A_357] {strides = array<i32>} : memref<128xi32, #tpu.memory_space<vmem>>, vector<16xi32>,
      tpu.vector_store %arg17[%swap3A_357], %shift_right_logical3A_356 {strides = array<i32>} : memref<128xi32, #tpu.memory_space<vmem>>, vector<16xi32>,
      %gather3A_359 = tpu.vector_load_idx %arg9[%shift_right_logical3A_356] : memref<10240xf32, #tpu.memory_space<vmem>>[vector<16xi32>], vector<16xf32>,
      %get3A_360 = arith.index_cast %add3A_235 : i32 to index
      %get3A_361 = arith.constant 80 : index
      %get3A_362 = tpu.vector_load %arg8[%get3A_360, %get3A_361] {strides = array<i32>} : memref<162x128xf32, #tpu.memory_space<vmem>>, vector<16xf32>,
      %div3A_363 = arith.divf %get3A_362, %gather3A_359 : vector<16xf32>
      %add3A_364 = arith.constant 80 : i32
      %add3A_365 = vector.broadcast %add3A_364 : i32 to vector<16xi32>
      %add3A_366 = arith.addi %iota3A, %add3A_365 : vector<16xi32>
      %scan3A_367 = arith.constant 0 : i32
      %scan3A_368 = arith.constant 0 : i32
      %scan3A_369 = arith.constant 64 : i32
      %scan3A_370 = arith.addi %scan3A_368, %scan3A_369 : i32
      %scan3A_371 = arith.constant 1 : i32
      scf.for %scan3A_420 = %scan3A_368 to %scan3A_370 step %scan3A_371  : i32 {
        %broadcast_in_dim3A_421 = vector.broadcast %scan3A_420 : i32 to vector<16xi32>
        %gather3A_422 = tpu.vector_load_idx %arg11[%add3A_366, %broadcast_in_dim3A_421] : memref<128x64xf32, #tpu.memory_space<vmem>>[vector<16xi32>, vector<16xi32>], vector<16xf32>,
        %mul3A_423 = arith.mulf %gather3A_422, %div3A_363 : vector<16xf32>
        tpu.vector_store_idx %arg13[%add3A_366, %broadcast_in_dim3A_421], %mul3A_423 : memref<128x64xf32, #tpu.memory_space<vmem>>[vector<16xi32>, vector<16xi32>], vector<16xf32>,
      }
      %scan3A_372 = arith.constant 64 : i32
      %get3A_373 = arith.index_cast %add3A_235 : i32 to index
      %get3A_374 = arith.constant 96 : index
      %get3A_375 = tpu.vector_load %arg7[%get3A_373, %get3A_374] {strides = array<i32>} : memref<162x128xi32, #tpu.memory_space<vmem>>, vector<16xi32>,
      %shift_right_logical3A_376 = arith.constant 14 : i32
      %shift_right_logical3A_377 = vector.broadcast %shift_right_logical3A_376 : i32 to vector<16xi32>
      %shift_right_logical3A_378 = arith.shrui %get3A_375, %shift_right_logical3A_377 : vector<16xi32>
      %swap3A_379 = arith.constant 96 : index
      %swap3A_380 = tpu.vector_load %arg17[%swap3A_379] {strides = array<i32>} : memref<128xi32, #tpu.memory_space<vmem>>, vector<16xi32>,
      tpu.vector_store %arg17[%swap3A_379], %shift_right_logical3A_378 {strides = array<i32>} : memref<128xi32, #tpu.memory_space<vmem>>, vector<16xi32>,
      %gather3A_381 = tpu.vector_load_idx %arg9[%shift_right_logical3A_378] : memref<10240xf32, #tpu.memory_space<vmem>>[vector<16xi32>], vector<16xf32>,
      %get3A_382 = arith.index_cast %add3A_235 : i32 to index
      %get3A_383 = arith.constant 96 : index
      %get3A_384 = tpu.vector_load %arg8[%get3A_382, %get3A_383] {strides = array<i32>} : memref<162x128xf32, #tpu.memory_space<vmem>>, vector<16xf32>,
      %div3A_385 = arith.divf %get3A_384, %gather3A_381 : vector<16xf32>
      %add3A_386 = arith.constant 96 : i32
      %add3A_387 = vector.broadcast %add3A_386 : i32 to vector<16xi32>
      %add3A_388 = arith.addi %iota3A, %add3A_387 : vector<16xi32>
      %scan3A_389 = arith.constant 0 : i32
      %scan3A_390 = arith.constant 0 : i32
      %scan3A_391 = arith.constant 64 : i32
      %scan3A_392 = arith.addi %scan3A_390, %scan3A_391 : i32
      %scan3A_393 = arith.constant 1 : i32
      scf.for %scan3A_420 = %scan3A_390 to %scan3A_392 step %scan3A_393  : i32 {
        %broadcast_in_dim3A_421 = vector.broadcast %scan3A_420 : i32 to vector<16xi32>
        %gather3A_422 = tpu.vector_load_idx %arg11[%add3A_388, %broadcast_in_dim3A_421] : memref<128x64xf32, #tpu.memory_space<vmem>>[vector<16xi32>, vector<16xi32>], vector<16xf32>,
        %mul3A_423 = arith.mulf %gather3A_422, %div3A_385 : vector<16xf32>
        tpu.vector_store_idx %arg13[%add3A_388, %broadcast_in_dim3A_421], %mul3A_423 : memref<128x64xf32, #tpu.memory_space<vmem>>[vector<16xi32>, vector<16xi32>], vector<16xf32>,
      }
      %scan3A_394 = arith.constant 64 : i32
      %get3A_395 = arith.index_cast %add3A_235 : i32 to index
      %get3A_396 = arith.constant 112 : index
      %get3A_397 = tpu.vector_load %arg7[%get3A_395, %get3A_396] {strides = array<i32>} : memref<162x128xi32, #tpu.memory_space<vmem>>, vector<16xi32>,
      %shift_right_logical3A_398 = arith.constant 14 : i32
      %shift_right_logical3A_399 = vector.broadcast %shift_right_logical3A_398 : i32 to vector<16xi32>
      %shift_right_logical3A_400 = arith.shrui %get3A_397, %shift_right_logical3A_399 : vector<16xi32>
      %swap3A_401 = arith.constant 112 : index
      %swap3A_402 = tpu.vector_load %arg17[%swap3A_401] {strides = array<i32>} : memref<128xi32, #tpu.memory_space<vmem>>, vector<16xi32>,
      tpu.vector_store %arg17[%swap3A_401], %shift_right_logical3A_400 {strides = array<i32>} : memref<128xi32, #tpu.memory_space<vmem>>, vector<16xi32>,
      %gather3A_403 = tpu.vector_load_idx %arg9[%shift_right_logical3A_400] : memref<10240xf32, #tpu.memory_space<vmem>>[vector<16xi32>], vector<16xf32>,
      %get3A_404 = arith.index_cast %add3A_235 : i32 to index
      %get3A_405 = arith.constant 112 : index
      %get3A_406 = tpu.vector_load %arg8[%get3A_404, %get3A_405] {strides = array<i32>} : memref<162x128xf32, #tpu.memory_space<vmem>>, vector<16xf32>,
      %div3A_407 = arith.divf %get3A_406, %gather3A_403 : vector<16xf32>
      %add3A_408 = arith.constant 112 : i32
      %add3A_409 = vector.broadcast %add3A_408 : i32 to vector<16xi32>
      %add3A_410 = arith.addi %iota3A, %add3A_409 : vector<16xi32>
      %scan3A_411 = arith.constant 0 : i32
      %scan3A_412 = arith.constant 0 : i32
      %scan3A_413 = arith.constant 64 : i32
      %scan3A_414 = arith.addi %scan3A_412, %scan3A_413 : i32
      %scan3A_415 = arith.constant 1 : i32
      scf.for %scan3A_420 = %scan3A_412 to %scan3A_414 step %scan3A_415  : i32 {
        %broadcast_in_dim3A_421 = vector.broadcast %scan3A_420 : i32 to vector<16xi32>
        %gather3A_422 = tpu.vector_load_idx %arg11[%add3A_410, %broadcast_in_dim3A_421] : memref<128x64xf32, #tpu.memory_space<vmem>>[vector<16xi32>, vector<16xi32>], vector<16xf32>,
        %mul3A_423 = arith.mulf %gather3A_422, %div3A_407 : vector<16xf32>
        tpu.vector_store_idx %arg13[%add3A_410, %broadcast_in_dim3A_421], %mul3A_423 : memref<128x64xf32, #tpu.memory_space<vmem>>[vector<16xi32>, vector<16xi32>], vector<16xf32>,
      }
      %scan3A_416 = arith.constant 64 : i32
      %dma_start3A_417 = arith.constant 0 : i32
      %dma_start3A_418 = arith.constant 0 : i32
      %dma_start3A_419 = tpu.memref_slice %arg18[%dma_start3A_417, %dma_start3A_418] : memref<10240x64xf32, #tpu.memory_space<vmem_shared>> -> memref<10240x64xf32, #tpu.memory_space<vmem_shared>>
      tpu.enqueue_indirect_dma source(%arg13 : memref<128x64xf32, #tpu.memory_space<vmem>>) target(%dma_start3A_419 : memref<10240x64xf32, #tpu.memory_space<vmem_shared>>) offsets(%arg17 : memref<128xi32, #tpu.memory_space<vmem>>) semaphore(%arg22 : memref<!tpu.dma_semaphore, #tpu.memory_space<semaphore_mem>>) {add = true}
    }
    %scan3A_25 = arith.constant 81 : i32
    %dma_wait3A = arith.constant 0 : i32
    %dma_wait3A_26 = arith.constant 0 : i32
    %dma_wait3A_27 = tpu.memref_slice %arg18[%dma_wait3A, %dma_wait3A_26] : memref<10240x64xf32, #tpu.memory_space<vmem_shared>> -> memref<10240x64xf32, #tpu.memory_space<vmem_shared>>
    tpu.wait_indirect_dma semaphore(%arg21 : memref<!tpu.dma_semaphore, #tpu.memory_space<semaphore_mem>>) src(%arg12 : memref<128x64xf32, #tpu.memory_space<vmem>>) dst(%dma_wait3A_27 : memref<10240x64xf32, #tpu.memory_space<vmem_shared>>)
    %dma_wait3A_28 = arith.constant 0 : i32
    %dma_wait3A_29 = arith.constant 0 : i32
    %dma_wait3A_30 = tpu.memref_slice %arg18[%dma_wait3A_28, %dma_wait3A_29] : memref<10240x64xf32, #tpu.memory_space<vmem_shared>> -> memref<10240x64xf32, #tpu.memory_space<vmem_shared>>
    tpu.wait_indirect_dma semaphore(%arg22 : memref<!tpu.dma_semaphore, #tpu.memory_space<semaphore_mem>>) src(%arg13 : memref<128x64xf32, #tpu.memory_space<vmem>>) dst(%dma_wait3A_30 : memref<10240x64xf32, #tpu.memory_space<vmem_shared>>)
    %barrier3A_31 = arith.constant 0 : index
    tpu.barrier barrier_id(%barrier3A_31)
    %mul3A = arith.constant 640 : i32
    %mul3A_32 = arith.muli %arg1, %mul3A : i32
    %mul3A_33 = arith.constant 640 : i32
    %mul3A_34 = arith.muli %arg1, %mul3A_33 : i32
    "tpu.region"() ({
      %run_scoped3A = tpu.sem_alloc : memref<!tpu.dma_semaphore, #tpu.memory_space<semaphore_mem>>
      %dma_start3A_35 = arith.constant 0 : i32
      %dma_start3A_36 = tpu.memref_slice %arg6[%mul3A_34, %dma_start3A_35] : memref<10240x64xf32, #tpu.memory_space<hbm>> -> memref<640x64xf32, #tpu.memory_space<hbm>>
      %dma_start3A_37 = arith.constant 0 : i32
      %dma_start3A_38 = tpu.memref_slice %arg18[%mul3A_32, %dma_start3A_37] : memref<10240x64xf32, #tpu.memory_space<vmem_shared>> -> memref<640x64xf32, #tpu.memory_space<vmem_shared>>
      tpu.enqueue_dma source(%dma_start3A_38 : memref<640x64xf32, #tpu.memory_space<vmem_shared>>) target(%dma_start3A_36 : memref<640x64xf32, #tpu.memory_space<hbm>>) target_semaphore(%run_scoped3A : memref<!tpu.dma_semaphore, #tpu.memory_space<semaphore_mem>>)
      %dma_wait3A_39 = arith.constant 0 : i32
      %dma_wait3A_40 = tpu.memref_slice %arg6[%mul3A_34, %dma_wait3A_39] : memref<10240x64xf32, #tpu.memory_space<hbm>> -> memref<640x64xf32, #tpu.memory_space<hbm>>
      %dma_wait3A_41 = arith.constant 0 : i32
      %dma_wait3A_42 = tpu.memref_slice %arg18[%mul3A_32, %dma_wait3A_41] : memref<10240x64xf32, #tpu.memory_space<vmem_shared>> -> memref<640x64xf32, #tpu.memory_space<vmem_shared>>
      tpu.wait_dma2 semaphore(%run_scoped3A : memref<!tpu.dma_semaphore, #tpu.memory_space<semaphore_mem>>) src(%dma_wait3A_42 : memref<640x64xf32, #tpu.memory_space<vmem_shared>>) dst(%dma_wait3A_40 : memref<640x64xf32, #tpu.memory_space<hbm>>)
      tpu.yield
    }) : () -> ()
    return
  }
}

</mosaic_0001>

<sc_bundles>
// kernel: _edge_call.4.cloned.1.call-start
scs
__scs_entry_jumppad:
0x0: {  	(pc) =	sbr.rel $0x88, $3  }
0x1: {  	(tag) =	ssettag $0x0;
	lr =	simm.s32 $0x1  }
0x2: {  	[smem:$0x3F9D] =	sst lr;
	_ =	strace $0xD0000000  }
0x3: {  	_ = 	snop  }
0x4: {  	_ = 	snop  }
0x5: {  	_ = 	snop  }
0x6: {  	_ = 	snop  }
0x7: {  	_ = 	snop  }
__scs_overlays_trampoline_lowered:
0x8: {  	[smem:$0x3FAC] =	sst s0  }
0x9: {  	[smem:$0x3FAD] =	sst s1  }
0xa: {  	[smem:$0x3FAE] =	sst s2  }
0xb: {  	[smem:$0x3FAF] =	sst s3  }
0xc: {  	[smem:$0x3FB0] =	sst s4  }
0xd: {  	[smem:$0x3FB1] =	sst s5  }
0xe: {  	[smem:$0x3FB2] =	sst s6  }
0xf: {  	[smem:$0x3FB3] =	sst s7  }
0x10: {  	[smem:$0x3FB4] =	sst s8  }
0x11: {  	[smem:$0x3FB5] =	sst s9;
	s0 =	simm.s32 @!p0 $0x0  }
0x12: {  	s1 =	sld [smem:$0x3F9B];
	s0 =	simm.s32 @p0 $0x1  }
0x13: {  	[smem:$0x3FB6] =	sst s0;
	s0 =	simm.s32 @!p1 $0x0  }
0x14: {  	s2 =	sld [smem:$0x3F9A];
	s0 =	simm.s32 @p1 $0x1  }
0x15: {  	[smem:$0x3FB7] =	sst s0;
	s0 =	simm.s32 @!p2 $0x0  }
0x16: {  	s3 =	sld [smem:$0x3FDB];
	s0 =	simm.s32 @p2 $0x1  }
0x17: {  	s4 =	simm.s32 $0x1BF5;
	[smem:$0x3FB9] =	sst s0  }
0x18: {  	s0 =	sld [smem:$0x3F9C];
	_ =	swait.ge [sflag:s4], $0x0  }
0x19: {  	s7 =	sld [smem:$0x3F9D]  }
0x1a: {  	s8 =	sadd.s32 $0xFFFFE003, lr  }
0x1b: {  	s9 =	sadd.s32 $0xFFFFFEF7, lr;
	s5 =	simm.s32 $0xFFFFFFFF;
	p2 =	slt.u32 s8, $0xFFFFF086  }
0x1c: {  	p1 =	slt.u32 s9, $0xF7A;
	s5 =	simm.s32 @!p2 $0x0  }
0x1d: {  	s5 =	simm.s32 @p1 $0x1;
	p0 =	seq.s32 s7, s2  }
0x1e: {  	s7 =	smul.u32 @!p0 $0xF7A, s2;
	p2 =	seq.s32 @!p0 s5, $0x0  }
0x1f: {  	s9 =	smul.u32 $0xF7A, s1;
	s8 =	simm.s32 @!p0 $0x1BF5;
	p2 =	por !p2, p0  }
0x20: {  	[sflag:s8] =	ssyncset.s32 @!p0 $0xFFFFF086;
	s6 =	sadd.s32 @!p0 s3, s7;
	s7 =	simm.s32 @!p0 $0x108  }
0x21: {  	s3 =	sadd.s32 s3, s9;
	s6 =	sadd.s32 @!p0 $0x88, s6;
	s7 =	simm.s32 @p2 $0x1082  }
0x22: {  	[simem:s7], [sflag:s8] =	dma.local @!p0 [hbm:s6], $0xF7A  }
0x23: {  	s9 =	sor.u32 $0xD0000000, s2;
	s6 =	simm.s32 $0x108;
	_ =	swait.ge @!p0 [sflag:s8], $0x0  }
0x24: {  	s3 =	sadd.s32 $0x88, s3;
	s6 =	simm.s32 @!p1 $0x1082;
	[sflag:s4] =	ssyncset.s32 $0xFFFFF086  }
0x25: {  	[simem:s6], [sflag:s4] =	dma.local [hbm:s3], $0xF7A  }
0x26: {  	[smem:$0x3F9D] =	sst s1;
	(tag) =	ssettag s2;
	_ =	strace s9  }
0x27: {  	s1 =	sld [smem:$0x3FAD]  }
0x28: {  	s2 =	sld [smem:$0x3FAE]  }
0x29: {  	s4 =	sld [smem:$0x3FB0]  }
0x2a: {  	p0 =	seq.s32 s5, $0x0;
	s5 =	sld [smem:$0x3FB1]  }
0x2b: {  	s6 =	sld [smem:$0x3FB2]  }
0x2c: {  	s7 =	sld [smem:$0x3FB3]  }
0x2d: {  	s3 =	simm.s32 $0x108;
	s8 =	sld [smem:$0x3FB4]  }
0x2e: {  	s3 =	simm.s32 @!p0 $0x1082;
	s9 =	sld [smem:$0x3FB5]  }
0x2f: {  	lr =	sadd.s32 s0, s3;
	s0 =	sld [smem:$0x3FAC]  }
0x30: {  	s3 =	sld [smem:$0x3FAF]  }
0x31: {  	[smem:$0x3FB8] =	sst s10  }
0x32: {  	s10 =	sld [smem:$0x3FB6];
	_ =	sdelay $0x3  }
0x33: {  	p0 =	seq.s32 s10, $0x1;
	s10 =	sld [smem:$0x3FB8];
	_ =	sdelay $0x3  }
0x34: {  	[smem:$0x3FB8] =	sst s10  }
0x35: {  	s10 =	sld [smem:$0x3FB7];
	_ =	sdelay $0x3  }
0x36: {  	p1 =	seq.s32 s10, $0x1;
	s10 =	sld [smem:$0x3FB8];
	_ =	sdelay $0x3  }
0x37: {  	[smem:$0x3FB8] =	sst s10  }
0x38: {  	s10 =	sld [smem:$0x3FB9]  }
0x39: {  	_ = 	snop;
	(pc) =	sbr.ind lr, $3  }
0x3a: {  	_ = 	snop  }
0x3b: {  	_ = 	snop  }
0x3c: {  	p2 =	seq.s32 s10, $0x1;
	s10 =	sld [smem:$0x3FB8]  }
0x3d: {  	_ =	shalt  }
0x3e: {  	_ =	shalt  }
0x3f: {  	_ =	shalt  }
0x40: {  	_ =	shalt  }
0x41: {  	_ =	shalt  }
0x42: {  	_ =	shalt  }
0x43: {  	_ =	shalt  }
0x44: {  	_ =	shalt  }
0x45: {  	_ =	shalt  }
0x46: {  	_ =	shalt  }
0x47: {  	_ =	shalt  }
0x48: {  	_ =	shalt  }
0x49: {  	_ =	shalt  }
0x4a: {  	_ =	shalt  }
0x4b: {  	_ =	shalt  }
0x4c: {  	_ =	shalt  }
0x4d: {  	_ =	shalt  }
0x4e: {  	_ =	shalt  }
0x4f: {  	_ =	shalt  }
0x50: {  	_ =	shalt  }
0x51: {  	_ =	shalt  }
0x52: {  	_ =	shalt  }
0x53: {  	_ =	shalt  }
0x54: {  	_ =	shalt  }
0x55: {  	_ =	shalt  }
0x56: {  	_ =	shalt  }
0x57: {  	_ =	shalt  }
0x58: {  	_ =	shalt  }
0x59: {  	_ =	shalt  }
0x5a: {  	_ =	shalt  }
0x5b: {  	_ =	shalt  }
0x5c: {  	_ =	shalt  }
0x5d: {  	_ =	shalt  }
0x5e: {  	_ =	shalt  }
0x5f: {  	_ =	shalt  }
0x60: {  	_ =	shalt  }
0x61: {  	_ =	shalt  }
0x62: {  	_ =	shalt  }
0x63: {  	_ =	shalt  }
0x64: {  	_ =	shalt  }
0x65: {  	_ =	shalt  }
0x66: {  	_ =	shalt  }
0x67: {  	_ =	shalt  }
0x68: {  	_ =	shalt  }
0x69: {  	_ =	shalt  }
0x6a: {  	_ =	shalt  }
0x6b: {  	_ =	shalt  }
0x6c: {  	_ =	shalt  }
0x6d: {  	_ =	shalt  }
0x6e: {  	_ =	shalt  }
0x6f: {  	_ =	shalt  }
0x70: {  	_ =	shalt  }
0x71: {  	_ =	shalt  }
0x72: {  	_ =	shalt  }
0x73: {  	_ =	shalt  }
0x74: {  	_ =	shalt  }
0x75: {  	_ =	shalt  }
0x76: {  	_ =	shalt  }
0x77: {  	_ =	shalt  }
0x78: {  	_ =	shalt  }
0x79: {  	_ =	shalt  }
0x7a: {  	_ =	shalt  }
0x7b: {  	_ =	shalt  }
0x7c: {  	_ =	shalt  }
0x7d: {  	_ =	shalt  }
0x7e: {  	_ =	shalt  }
0x7f: {  	_ =	shalt  }
0x80: {  	_ =	shalt  }
0x81: {  	_ =	shalt  }
0x82: {  	_ =	shalt  }
0x83: {  	_ =	shalt  }
0x84: {  	_ =	shalt  }
0x85: {  	_ =	shalt  }
0x86: {  	_ =	shalt  }
0x87: {  	_ =	shalt  }
.Lfunc_end0:
.L_simem_size_0:
called_computation_lowered:
.L_overlay_start_0:
0x88: {  	s0 =	sld [smem:$0x3FD9]  }
0x89: {  	s1 =	sld [smem:$0x3FFE];
	_ =	sdelay $0x3  }
0x8a: {  	s0 =	sadd.s32 s1, s0  }
0x8b: {  	[smem:$0x3FC4] =	sst s0  }
0x8c: {  	_ = 	snop  }
0x8d: {  	s0 =	sld [smem:$0x3FC8]  }
0x8e: {  	s16 =	sld [smem:$0x3FC7];
	(tm) =	ssettm $0x1  }
0x8f: {  	s2 =	sld [smem:$0x3FFB];
	_ =	sdelay $0x3  }
0x90: {  	_ =	strace s2  }
0x91: {  	s2 =	sld [smem:$0x3FFC];
	_ =	sdelay $0x3  }
0x92: {  	_ =	strace s2  }
0x93: {  	s2 =	sld [smem:$0x3FFD];
	_ =	sdelay $0x3  }
0x94: {  	_ =	strace s2  }
0x95: {  	_ =	strace $0x8FFFFFFF  }
0x96: {  	s17 =	sld [smem:$0x3FDB];
	_ =	sdelay $0x1  }
0x97: {  	s3 =	simm.s32 $_scs_section_size  }
0x98: {  	s4 =	simm.s32 $_size__tile_overlayer_lowered;
	s5 =	simm.s32 $_tile_overlayer_lowered  }
0x99: {  	s20 =	simm.s32 $0x1BFF;
	s19 =	sshll.u32 s5, $0x1;
	s2 =	sadd.s32 s3, s17  }
0x9a: {  	s6 =	simm.s32 $0x0;
	s18 =	sshll.u32 s4, $0x1;
	s4 =	sadd.s32 s19, s2  }
0x9b: {  	[timem:s6], [sflag:s20] =	dma.local [hbm:s4], s18  }
0x9c: {  	_ =	swait.ge [sflag:s20], s18  }
0x9d: {  	s3 =	ssub.s32 $0x0, s18;
	[sflag:s20] =	ssyncset.done $0x0  }
0x9e: {  	[sflag:s20] =	ssyncadd.s32 s3;
	_ =	sdelay $0x1  }
0x9f: {  	s21 =	simm.s32 $0x1B8B  }
0xa0: {  	_ =	swait.ge [sflag:s21], $0x1  }
0xa1: {  	[sflag:s21] =	ssyncset.done $0x0  }
0xa2: {  	s23 =	simm.s32 $0x1B8E;
	s22 =	sld [smem:$0x3FFE];
	[sflag:s21] =	ssyncadd.s32 $0xFFFFFFFF  }
0xa3: {  	s24 =	simm.s32 $execute0_lowered;
	[smem:$0x3FD2] =	sst s23  }
0xa4: {  	s4 =	sshll.u32 s24, $0x1;
	_ =	strace $0x80000046;
	[dreg:$0x1] =	wrdreg $0xFFFFFFFF  }
0xa5: {  	s25 =	simm.s32 $_size_execute0_lowered;
	s2 =	sadd.s32 s2, s4;
	[dreg:$0x0] =	wrdreg $0x0  }
0xa6: {  	s4 =	sshll.u32 s25, $0x1;
	[dreg:$0x2] =	wrdreg s2  }
0xa7: {  	[dreg:$0x3] =	wrdreg s4  }
0xa8: {  	[dreg:$0x4] =	wrdreg $0xC0  }
0xa9: {  	_ =	task [dreg:s6], $0x5FFFF  }
0xaa: {  	[dreg:$0x1] =	wrdreg $0xFFFFFFFF  }
0xab: {  	[dreg:$0x0] =	wrdreg $0x60  }
0xac: {  	[dreg:$0x2] =	wrdreg s22  }
0xad: {  	[dreg:$0x3] =	wrdreg s0  }
0xae: {  	[dreg:$0x4] =	wrdreg s16  }
0xaf: {  	[dreg:$0x5] =	wrdreg $0x16B000  }
0xb0: {  	[dreg:$0x6] =	wrdreg $0x9  }
0xb1: {  	_ =	task.clear_ibuf [dreg:s6], $0x7FFFF;
	_ =	strace $0x90000046  }
0xb2: {  	s26 =	simm.s32 $0x9;
	_ =	strace $0x80000048  }
0xb3: {  	_ =	swait.ge [sflag:s26], $0x1  }
0xb4: {  	[sflag:s26] =	ssyncadd.s32 $0xFFFFFFFF  }
0xb5: {  	_ =	strace $0x90000048  }
0xb6: {  	_ =	sfence  }
0xb7: {  	s28 =	sld [smem:$0x0];
	_ =	sdelay $0x1  }
0xb8: {  	s29 =	srdreg.scid  }
0xb9: {  	s30 =	sshll.u32 s29, $0xD;
	s31 =	sshrl.u32 s29, $0x2  }
0xba: {  	s1 =	sand.u32 $0x1, s29;
	s2 =	sand.u32 $0x4000, s30;
	s0 =	sadd.s32 s31, s28  }
0xbb: {  	s1 =	sor.u32 s2, s1;
	s0 =	sshll.u32 s0, $0x11  }
0xbc: {  	s0 =	sor.u32 s0, s1  }
0xbd: {  	s0 =	sadd.s32 $0x8F2B, s0  }
0xbe: {  	[sflag:s0] =	ssyncadd.remote.s32 $0x1  }
0xbf: {  	_ =	sfence.sel $0xFFFF  }
0xc0: {  	[dreg:$0x0] =	wrdreg $0xFFFFFFFF;
	(pc) =	sbr.abs _section_cstart, $3  }
0xc1: {  	[dreg:$0x1] =	wrdreg $0xFFFFFFFF  }
0xc2: {  	_ =	task.clear_ibuf [dreg:s6], $0x2FFFF;
	_ =	strace $0x9FFFFFFF  }
0xc3: {  	(tm) =	ssettm $0x7FFFFFFF  }
tec
execute0_lowered:
.L_overlay_start_1:
0x0: {  	(tag) =	ssettag $0x1  }
0x1: {  	s4 =	rddreg [dreg:$0x0]  }
0x2: {  	s5 =	rddreg [dreg:$0x1]  }
0x3: {  	s6 =	rddreg [dreg:$0x2];
	s0 =	stileid.u32  }
0x4: {  	s3 =	rddreg [dreg:$0x3];
	s2 =	smul.u32 $0xA20, s0  }
0x5: {  	s1 =	rddreg [dreg:$0x4];
	s7 =	simm.s32 $0x0  }
0x6: {  	[smem:$0x7FF] =	sst s7;
	s8 =	sadd.s32 s2, s4  }
0x7: {  	s30 =	simm.s32 $0x1;
	_ =	strace $0x80000047;
	s8 =	sadd.s32 $0xE00, s8  }
0x8: {  	[tilespmem:s7], [sflag:$0x1] =	stream.linear.gather [hbm4b:s8+s7], $0x5100, $0x38;
	[tilespmem:$0x16D80] =	vst v63  }
0x9: {  	_ =	swait.ge [sflag:s30], $0x5100  }
0xa: {  	[sflag:s30] =	ssyncset.done $0x0  }
0xb: {  	s9 =	simm.s32 $0xF300;
	[sflag:s30] =	ssyncadd.s32 $0xFFFFAF00  }
0xc: {  	[tilespmem:s9], [sflag:$0x1] =	stream.linear.gather [hbm4b:s5+s7], $0x2800, $0x38;
	[tilespmem:$0x16D80] =	vst v63  }
0xd: {  	_ =	swait.ge [sflag:s30], $0x2800  }
0xe: {  	[sflag:s30] =	ssyncset.done $0x0  }
0xf: {  	s31 =	simm.s32 $0x11B00;
	[sflag:s30] =	ssyncadd.s32 $0xFFFFD800  }
0x10: {  	[tilespmem:s31], [sflag:$0x1] =	stream.linear.gather [hbm4b:s6+s7], $0x2800, $0x38;
	[tilespmem:$0x16D80] =	vst v63  }
0x11: {  	_ =	swait.ge [sflag:s30], $0x2800  }
0x12: {  	s8 =	simm.s32 $0x0;
	s5 =	sadd.s32 $0xB000, s4;
	[sflag:s30] =	ssyncset.done $0x0  }
0x13: {  	v0 =	vimm.f32 $0.0e+00;
	s4 =	sadd.s32 $0x15200, s4;
	s6 =	simm.s32 $0x40;
	[sflag:s30] =	ssyncadd.s32 $0xFFFFD800  }
.LBB2_1:
0x14: {  	p0 =	sne.s32 s6, $0x9FC0;
	[tilespmem:s8+$0x14300] =	vst v0;
	s7 =	smov.u32 s6;
	s6 =	sadd.s32 $0x40, s6  }
.Ltmp0:
0x15: {  	(pc) =	sbr.rel @p0 .LBB2_1-.Ltmp0, $2  }
0x16: {  	_ =	sdelay $0x2  }
0x17: {  	s8 =	sshra.s32 s7, $0x2  }
0x18: {  	s7 =	smul.u32 $0x280, s0;
	_ =	sdelay $0x1  }
0x19: {  	[tilespmem:s8+$0x14300] =	vst v0;
	s31 =	simm.s32 $0x1;
	s6 =	sadd.s32 s7, s3;
	s30 =	sadd.s32 $0x14300, s7  }
0x1a: {  	[spmem:s6] =	stream.linear.scatter [tilespmem:s30], [sflag:$0x1], $0x280, $0x38;
	[tilespmem:$0x16D80] =	vst v63  }
0x1b: {  	_ =	swait.ge [sflag:s31], $0x280  }
0x1c: {  	[sflag:s31] =	ssyncset.done $0x0  }
0x1d: {  	s10 =	simm.s32 $0x0;
	[sflag:s31] =	ssyncadd.s32 $0xFFFFFD80  }
0x1e: {  	v0 =	vld [tilespmem:s10+$0x0];
	_ =	sdelay $0x4  }
0x1f: {  	v5 =	vand.u32 $0x3FFF, v0  }
0x20: {  	v0 =	vshrl.u32 v0, $0xE;
	_ =	sdelay $0x2  }
0x21: {  	s8 =	simm.s32 $0xF300;
	[tilespmem:s10+$0x5100] =	vst v0  }
0x22: {  	s9 =	simm.s32 $0x11B00;
	v5 =	vld.idx.msk [tilespmem:v5+s8+$0x0], $0xffff  }
0x23: {  	v0 =	vld.idx.msk [tilespmem:v0+s9+$0x0], $0xffff;
	_ =	sdelay $0x4  }
0x24: {  	v0 =	vadd.f32 v0, v5;
	_ =	sdelay $0x1  }
0x25: {  	v5 =	vmul.f32 $2.000000030e-01, v0  }
0x26: {  	vm0 =	vge.f32 v0, $0.0e+00  }
0x27: {  	v0 =	vsel vm0, v0, v5  }
0x28: {  	v0 =	vmul.f32 $1.442695020e+00, v0;
	_ =	sdelay $0x1  }
0x29: {  	(erf) = vpow2.f32 v0  }
0x2a: {  	v1 =	vld [tilespmem:s10+$0x10];
	_ =	sdelay $0x4  }
0x2b: {  	v0 =	vand.u32 $0x3FFF, v1  }
0x2c: {  	v1 =	vshrl.u32 v1, $0xE;
	_ =	sdelay $0x1  }
0x2d: {  	[tilespmem:s10+$0x5110] =	vst v1;
	v63 =	vpop (erf)  }
0x2e: {  	[tilespmem:s10+$0xA200] =	vst v63  }
0x2f: {  	v0 =	vld.idx.msk [tilespmem:v0+s8+$0x0], $0xffff  }
0x30: {  	v1 =	vld.idx.msk [tilespmem:v1+s9+$0x0], $0xffff;
	_ =	sdelay $0x4  }
0x31: {  	v0 =	vadd.f32 v1, v0;
	_ =	sdelay $0x1  }
0x32: {  	v1 =	vmul.f32 $2.000000030e-01, v0  }
0x33: {  	vm9 =	vge.f32 v0, $0.0e+00  }
0x34: {  	v0 =	vsel vm9, v0, v1  }
0x35: {  	v0 =	vmul.f32 $1.442695020e+00, v0;
	_ =	sdelay $0x1  }
0x36: {  	(erf) = vpow2.f32 v0  }
0x37: {  	v2 =	vld [tilespmem:s10+$0x20];
	_ =	sdelay $0x4  }
0x38: {  	v0 =	vand.u32 $0x3FFF, v2  }
0x39: {  	v1 =	vshrl.u32 v2, $0xE;
	_ =	sdelay $0x1  }
0x3a: {  	[tilespmem:s10+$0x5120] =	vst v1;
	v2 =	vpop (erf)  }
0x3b: {  	[tilespmem:s10+$0xA210] =	vst v2  }
0x3c: {  	v0 =	vld.idx.msk [tilespmem:v0+s8+$0x0], $0xffff  }
0x3d: {  	v1 =	vld.idx.msk [tilespmem:v1+s9+$0x0], $0xffff;
	_ =	sdelay $0x4  }
0x3e: {  	v0 =	vadd.f32 v1, v0;
	_ =	sdelay $0x1  }
0x3f: {  	v1 =	vmul.f32 $2.000000030e-01, v0  }
0x40: {  	vm10 =	vge.f32 v0, $0.0e+00  }
0x41: {  	v0 =	vsel vm10, v0, v1  }
0x42: {  	v0 =	vmul.f32 $1.442695020e+00, v0;
	_ =	sdelay $0x1  }
0x43: {  	(erf) = vpow2.f32 v0  }
0x44: {  	v3 =	vld [tilespmem:s10+$0x30];
	_ =	sdelay $0x4  }
0x45: {  	v0 =	vand.u32 $0x3FFF, v3  }
0x46: {  	v1 =	vshrl.u32 v3, $0xE;
	_ =	sdelay $0x1  }
0x47: {  	[tilespmem:s10+$0x5130] =	vst v1;
	v2 =	vpop (erf)  }
0x48: {  	[tilespmem:s10+$0xA220] =	vst v2  }
0x49: {  	v0 =	vld.idx.msk [tilespmem:v0+s8+$0x0], $0xffff  }
0x4a: {  	v1 =	vld.idx.msk [tilespmem:v1+s9+$0x0], $0xffff;
	_ =	sdelay $0x4  }
0x4b: {  	v0 =	vadd.f32 v1, v0;
	_ =	sdelay $0x1  }
0x4c: {  	v1 =	vmul.f32 $2.000000030e-01, v0  }
0x4d: {  	vm11 =	vge.f32 v0, $0.0e+00  }
0x4e: {  	v0 =	vsel vm11, v0, v1  }
0x4f: {  	v0 =	vmul.f32 $1.442695020e+00, v0;
	_ =	sdelay $0x1  }
0x50: {  	(erf) = vpow2.f32 v0  }
0x51: {  	v4 =	vld [tilespmem:s10+$0x40];
	_ =	sdelay $0x4  }
0x52: {  	v0 =	vand.u32 $0x3FFF, v4  }
0x53: {  	v1 =	vshrl.u32 v4, $0xE;
	_ =	sdelay $0x1  }
0x54: {  	[tilespmem:s10+$0x5140] =	vst v1;
	v2 =	vpop (erf)  }
0x55: {  	[tilespmem:s10+$0xA230] =	vst v2  }
0x56: {  	v0 =	vld.idx.msk [tilespmem:v0+s8+$0x0], $0xffff  }
0x57: {  	v1 =	vld.idx.msk [tilespmem:v1+s9+$0x0], $0xffff;
	_ =	sdelay $0x4  }
0x58: {  	v0 =	vadd.f32 v1, v0;
	_ =	sdelay $0x1  }
0x59: {  	v1 =	vmul.f32 $2.000000030e-01, v0  }
0x5a: {  	vm12 =	vge.f32 v0, $0.0e+00  }
0x5b: {  	v0 =	vsel vm12, v0, v1  }
0x5c: {  	v0 =	vmul.f32 $1.442695020e+00, v0;
	_ =	sdelay $0x1  }
0x5d: {  	(erf) = vpow2.f32 v0  }
0x5e: {  	v6 =	vld [tilespmem:s10+$0x50];
	_ =	sdelay $0x4  }
0x5f: {  	v0 =	vand.u32 $0x3FFF, v6  }
0x60: {  	v1 =	vshrl.u32 v6, $0xE;
	_ =	sdelay $0x1  }
0x61: {  	[tilespmem:s10+$0x5150] =	vst v1;
	v2 =	vpop (erf)  }
0x62: {  	[tilespmem:s10+$0xA240] =	vst v2  }
0x63: {  	v0 =	vld.idx.msk [tilespmem:v0+s8+$0x0], $0xffff  }
0x64: {  	v1 =	vld.idx.msk [tilespmem:v1+s9+$0x0], $0xffff;
	_ =	sdelay $0x4  }
0x65: {  	v0 =	vadd.f32 v1, v0;
	_ =	sdelay $0x1  }
0x66: {  	v1 =	vmul.f32 $2.000000030e-01, v0  }
0x67: {  	vm13 =	vge.f32 v0, $0.0e+00  }
0x68: {  	v0 =	vsel vm13, v0, v1  }
0x69: {  	v0 =	vmul.f32 $1.442695020e+00, v0;
	_ =	sdelay $0x1  }
0x6a: {  	(erf) = vpow2.f32 v0  }
0x6b: {  	v7 =	vld [tilespmem:s10+$0x60];
	_ =	sdelay $0x4  }
0x6c: {  	v0 =	vand.u32 $0x3FFF, v7  }
0x6d: {  	v1 =	vshrl.u32 v7, $0xE;
	_ =	sdelay $0x1  }
0x6e: {  	[tilespmem:s10+$0x5160] =	vst v1;
	v2 =	vpop (erf)  }
0x6f: {  	[tilespmem:s10+$0xA250] =	vst v2  }
0x70: {  	v0 =	vld.idx.msk [tilespmem:v0+s8+$0x0], $0xffff  }
0x71: {  	v1 =	vld.idx.msk [tilespmem:v1+s9+$0x0], $0xffff;
	_ =	sdelay $0x4  }
0x72: {  	v0 =	vadd.f32 v1, v0;
	_ =	sdelay $0x1  }
0x73: {  	v1 =	vmul.f32 $2.000000030e-01, v0  }
0x74: {  	vm14 =	vge.f32 v0, $0.0e+00  }
0x75: {  	v0 =	vsel vm14, v0, v1  }
0x76: {  	v0 =	vmul.f32 $1.442695020e+00, v0;
	_ =	sdelay $0x1  }
0x77: {  	(erf) = vpow2.f32 v0  }
0x78: {  	v8 =	vld [tilespmem:s10+$0x70];
	_ =	sdelay $0x4  }
0x79: {  	v0 =	vand.u32 $0x3FFF, v8  }
0x7a: {  	v1 =	vshrl.u32 v8, $0xE;
	_ =	sdelay $0x1  }
0x7b: {  	[tilespmem:s10+$0x5170] =	vst v1;
	v2 =	vpop (erf)  }
0x7c: {  	[tilespmem:s10+$0xA260] =	vst v2  }
0x7d: {  	v0 =	vld.idx.msk [tilespmem:v0+s8+$0x0], $0xffff  }
0x7e: {  	v1 =	vld.idx.msk [tilespmem:v1+s9+$0x0], $0xffff;
	_ =	sdelay $0x4  }
0x7f: {  	v0 =	vadd.f32 v1, v0;
	_ =	sdelay $0x1  }
0x80: {  	v1 =	vmul.f32 $2.000000030e-01, v0  }
0x81: {  	vm15 =	vge.f32 v0, $0.0e+00  }
0x82: {  	v0 =	vsel vm15, v0, v1  }
0x83: {  	v0 =	vmul.f32 $1.442695020e+00, v0;
	_ =	sdelay $0x1  }
0x84: {  	s13 =	simm.s32 $0x80;
	(erf) = vpow2.f32 v0  }
0x85: {  	s11 =	simm.s32 $0x400;
	v0 =	vld [tilespmem:s13+$0x0]  }
.LBB2_3:
0x86: {  	p0 =	sne.s32 s11, $0x14200;
	v4 =	vld [tilespmem:s13+$0x10];
	s12 =	smov.u32 s11;
	s11 =	sadd.s32 $0x200, s11  }
0x87: {  	v5 =	vld [tilespmem:s13+$0x20]  }
0x88: {  	v6 =	vld [tilespmem:s13+$0x30]  }
0x89: {  	v3 =	vld [tilespmem:s13+$0x40]  }
0x8a: {  	v7 =	vshrl.u32 v0, $0xE;
	v8 =	vand.u32 $0x3FFF, v0;
	v2 =	vld [tilespmem:s13+$0x50]  }
0x8b: {  	v1 =	vld [tilespmem:s13+$0x60]  }
0x8c: {  	v0 =	vld [tilespmem:s13+$0x70]  }
0x8d: {  	[tilespmem:s13+$0x5100] =	vst v7;
	v9 =	vpop (erf)  }
0x8e: {  	[tilespmem:s10+$0xA270] =	vst v9;
	s10 =	smov.u32 s13  }
0x8f: {  	v8 =	vld.idx.msk [tilespmem:v8+s8+$0x0], $0xffff  }
0x90: {  	v7 =	vld.idx.msk [tilespmem:v7+s9+$0x0], $0xffff;
	_ =	sdelay $0x5  }
0x91: {  	v7 =	vadd.f32 v7, v8;
	_ =	sdelay $0x1  }
0x92: {  	vm0 =	vge.f32 v7, $0.0e+00;
	v8 =	vmul.f32 $2.000000030e-01, v7;
	_ =	sdelay $0x1  }
0x93: {  	v7 =	vsel vm0, v7, v8  }
0x94: {  	v7 =	vmul.f32 $1.442695020e+00, v7;
	_ =	sdelay $0x1  }
0x95: {  	(erf) = vpow2.f32 v7;
	_ =	sdelay $0x5  }
0x96: {  	v7 =	vand.u32 $0x3FFF, v4  }
0x97: {  	v4 =	vshrl.u32 v4, $0xE;
	_ =	sdelay $0x1  }
0x98: {  	[tilespmem:s10+$0x5110] =	vst v4;
	v8 =	vpop (erf)  }
0x99: {  	[tilespmem:s10+$0xA200] =	vst v8  }
0x9a: {  	v7 =	vld.idx.msk [tilespmem:v7+s8+$0x0], $0xffff  }
0x9b: {  	v4 =	vld.idx.msk [tilespmem:v4+s9+$0x0], $0xffff;
	_ =	sdelay $0x5  }
0x9c: {  	v4 =	vadd.f32 v4, v7;
	_ =	sdelay $0x1  }
0x9d: {  	vm0 =	vge.f32 v4, $0.0e+00;
	v7 =	vmul.f32 $2.000000030e-01, v4;
	_ =	sdelay $0x1  }
0x9e: {  	v4 =	vsel vm0, v4, v7  }
0x9f: {  	v4 =	vmul.f32 $1.442695020e+00, v4;
	_ =	sdelay $0x1  }
0xa0: {  	(erf) = vpow2.f32 v4;
	_ =	sdelay $0x5  }
0xa1: {  	v4 =	vand.u32 $0x3FFF, v5  }
0xa2: {  	v5 =	vshrl.u32 v5, $0xE;
	_ =	sdelay $0x1  }
0xa3: {  	[tilespmem:s10+$0x5120] =	vst v5;
	v7 =	vpop (erf)  }
0xa4: {  	[tilespmem:s10+$0xA210] =	vst v7  }
0xa5: {  	v4 =	vld.idx.msk [tilespmem:v4+s8+$0x0], $0xffff  }
0xa6: {  	v5 =	vld.idx.msk [tilespmem:v5+s9+$0x0], $0xffff;
	_ =	sdelay $0x5  }
0xa7: {  	v4 =	vadd.f32 v5, v4;
	_ =	sdelay $0x1  }
0xa8: {  	vm0 =	vge.f32 v4, $0.0e+00;
	v5 =	vmul.f32 $2.000000030e-01, v4;
	_ =	sdelay $0x1  }
0xa9: {  	v4 =	vsel vm0, v4, v5  }
0xaa: {  	v4 =	vmul.f32 $1.442695020e+00, v4;
	_ =	sdelay $0x1  }
0xab: {  	(erf) = vpow2.f32 v4;
	_ =	sdelay $0x5  }
0xac: {  	v4 =	vand.u32 $0x3FFF, v6  }
0xad: {  	v5 =	vshrl.u32 v6, $0xE;
	_ =	sdelay $0x1  }
0xae: {  	[tilespmem:s10+$0x5130] =	vst v5;
	v6 =	vpop (erf)  }
0xaf: {  	[tilespmem:s10+$0xA220] =	vst v6  }
0xb0: {  	v4 =	vld.idx.msk [tilespmem:v4+s8+$0x0], $0xffff  }
0xb1: {  	v6 =	vshrl.u32 v3, $0xE;
	v5 =	vld.idx.msk [tilespmem:v5+s9+$0x0], $0xffff  }
0xb2: {  	[tilespmem:s10+$0x5140] =	vst v6;
	_ =	sdelay $0x4  }
0xb3: {  	v4 =	vadd.f32 v5, v4;
	_ =	sdelay $0x1  }
0xb4: {  	vm0 =	vge.f32 v4, $0.0e+00;
	v5 =	vmul.f32 $2.000000030e-01, v4;
	_ =	sdelay $0x1  }
0xb5: {  	v4 =	vsel vm0, v4, v5  }
0xb6: {  	v4 =	vmul.f32 $1.442695020e+00, v4;
	_ =	sdelay $0x1  }
0xb7: {  	(erf) = vpow2.f32 v4;
	_ =	sdelay $0x5  }
0xb8: {  	v3 =	vand.u32 $0x3FFF, v3;
	_ =	sdelay $0x2  }
0xb9: {  	v4 =	vpop (erf)  }
0xba: {  	[tilespmem:s10+$0xA230] =	vst v4  }
0xbb: {  	v3 =	vld.idx.msk [tilespmem:v3+s8+$0x0], $0xffff  }
0xbc: {  	v5 =	vshrl.u32 v2, $0xE;
	v4 =	vld.idx.msk [tilespmem:v6+s9+$0x0], $0xffff  }
0xbd: {  	[tilespmem:s10+$0x5150] =	vst v5;
	_ =	sdelay $0x4  }
0xbe: {  	v3 =	vadd.f32 v4, v3;
	_ =	sdelay $0x1  }
0xbf: {  	vm0 =	vge.f32 v3, $0.0e+00;
	v4 =	vmul.f32 $2.000000030e-01, v3;
	_ =	sdelay $0x1  }
0xc0: {  	v3 =	vsel vm0, v3, v4  }
0xc1: {  	v3 =	vmul.f32 $1.442695020e+00, v3;
	_ =	sdelay $0x1  }
0xc2: {  	(erf) = vpow2.f32 v3;
	_ =	sdelay $0x5  }
0xc3: {  	v2 =	vand.u32 $0x3FFF, v2;
	_ =	sdelay $0x2  }
0xc4: {  	v3 =	vpop (erf)  }
0xc5: {  	[tilespmem:s10+$0xA240] =	vst v3  }
0xc6: {  	v2 =	vld.idx.msk [tilespmem:v2+s8+$0x0], $0xffff  }
0xc7: {  	v4 =	vshrl.u32 v1, $0xE;
	v3 =	vld.idx.msk [tilespmem:v5+s9+$0x0], $0xffff  }
0xc8: {  	[tilespmem:s10+$0x5160] =	vst v4;
	_ =	sdelay $0x4  }
0xc9: {  	v2 =	vadd.f32 v3, v2;
	_ =	sdelay $0x1  }
0xca: {  	vm0 =	vge.f32 v2, $0.0e+00;
	v3 =	vmul.f32 $2.000000030e-01, v2;
	_ =	sdelay $0x1  }
0xcb: {  	v2 =	vsel vm0, v2, v3  }
0xcc: {  	v2 =	vmul.f32 $1.442695020e+00, v2;
	_ =	sdelay $0x1  }
0xcd: {  	(erf) = vpow2.f32 v2;
	_ =	sdelay $0x5  }
0xce: {  	v1 =	vand.u32 $0x3FFF, v1;
	_ =	sdelay $0x2  }
0xcf: {  	v2 =	vpop (erf)  }
0xd0: {  	[tilespmem:s10+$0xA250] =	vst v2  }
0xd1: {  	v1 =	vld.idx.msk [tilespmem:v1+s8+$0x0], $0xffff  }
0xd2: {  	v3 =	vshrl.u32 v0, $0xE;
	v2 =	vld.idx.msk [tilespmem:v4+s9+$0x0], $0xffff  }
0xd3: {  	[tilespmem:s10+$0x5170] =	vst v3;
	_ =	sdelay $0x4  }
0xd4: {  	v1 =	vadd.f32 v2, v1;
	_ =	sdelay $0x1  }
0xd5: {  	vm0 =	vge.f32 v1, $0.0e+00;
	v2 =	vmul.f32 $2.000000030e-01, v1;
	_ =	sdelay $0x1  }
0xd6: {  	v1 =	vsel vm0, v1, v2  }
0xd7: {  	v1 =	vmul.f32 $1.442695020e+00, v1;
	_ =	sdelay $0x1  }
0xd8: {  	(erf) = vpow2.f32 v1;
	_ =	sdelay $0x5  }
0xd9: {  	v0 =	vand.u32 $0x3FFF, v0;
	_ =	sdelay $0x2  }
0xda: {  	v1 =	vpop (erf)  }
0xdb: {  	[tilespmem:s10+$0xA260] =	vst v1  }
0xdc: {  	v0 =	vld.idx.msk [tilespmem:v0+s8+$0x0], $0xffff  }
0xdd: {  	v1 =	vld.idx.msk [tilespmem:v3+s9+$0x0], $0xffff;
	_ =	sdelay $0x5  }
0xde: {  	v0 =	vadd.f32 v1, v0;
	_ =	sdelay $0x1  }
0xdf: {  	vm0 =	vge.f32 v0, $0.0e+00;
	v1 =	vmul.f32 $2.000000030e-01, v0;
	_ =	sdelay $0x1  }
.Ltmp1:
0xe0: {  	v0 =	vsel vm0, v0, v1;
	(pc) =	sbr.rel @p0 .LBB2_3-.Ltmp1, $3  }
0xe1: {  	v0 =	vmul.f32 $1.442695020e+00, v0;
	_ =	sdelay $0x1  }
0xe2: {  	s13 =	sshra.s32 s12, $0x2;
	(erf) = vpow2.f32 v0  }
0xe3: {  	v0 =	vld [tilespmem:s13+$0x0]  }
0xe4: {  	_ =	sdelay $0x1  }
0xe5: {  	v1 =	vld [tilespmem:s13+$0x10]  }
0xe6: {  	v2 =	vld [tilespmem:s13+$0x20]  }
0xe7: {  	v3 =	vld [tilespmem:s13+$0x30];
	v5 =	vand.u32 $0x3FFF, v0  }
0xe8: {  	v4 =	vld [tilespmem:s13+$0x40];
	v43 =	vshrl.u32 v0, $0xE  }
0xe9: {  	v6 =	vld [tilespmem:s13+$0x50]  }
0xea: {  	v7 =	vld [tilespmem:s13+$0x60];
	[tilespmem:s13+$0x5100] =	vst v43;
	v9 =	vpop (erf)  }
0xeb: {  	v8 =	vld [tilespmem:s13+$0x70];
	[tilespmem:s10+$0xA270] =	vst v9  }
0xec: {  	v5 =	vld.idx.msk [tilespmem:v5+s8+$0x0], $0xffff  }
0xed: {  	v0 =	vld.idx.msk [tilespmem:v43+s9+$0x0], $0xffff;
	_ =	sdelay $0x4  }
0xee: {  	v0 =	vadd.f32 v0, v5;
	_ =	sdelay $0x1  }
0xef: {  	v5 =	vmul.f32 $2.000000030e-01, v0  }
0xf0: {  	vm0 =	vge.f32 v0, $0.0e+00  }
0xf1: {  	v0 =	vsel vm0, v0, v5  }
0xf2: {  	v0 =	vmul.f32 $1.442695020e+00, v0;
	_ =	sdelay $0x1  }
0xf3: {  	(erf) = vpow2.f32 v0;
	_ =	sdelay $0x5  }
0xf4: {  	v44 =	vand.u32 $0x3FFF, v1  }
0xf5: {  	v1 =	vshrl.u32 v1, $0xE;
	_ =	sdelay $0x1  }
0xf6: {  	[tilespmem:s13+$0x5110] =	vst v1;
	v45 =	vpop (erf)  }
0xf7: {  	[tilespmem:s13+$0xA200] =	vst v45  }
0xf8: {  	v0 =	vld.idx.msk [tilespmem:v44+s8+$0x0], $0xffff  }
0xf9: {  	v1 =	vld.idx.msk [tilespmem:v1+s9+$0x0], $0xffff;
	_ =	sdelay $0x4  }
0xfa: {  	v0 =	vadd.f32 v1, v0;
	_ =	sdelay $0x1  }
0xfb: {  	v1 =	vmul.f32 $2.000000030e-01, v0  }
0xfc: {  	vm9 =	vge.f32 v0, $0.0e+00  }
0xfd: {  	v0 =	vsel vm9, v0, v1  }
0xfe: {  	v0 =	vmul.f32 $1.442695020e+00, v0;
	_ =	sdelay $0x1  }
0xff: {  	(erf) = vpow2.f32 v0;
	_ =	sdelay $0x5  }
0x100: {  	v46 =	vand.u32 $0x3FFF, v2  }
0x101: {  	v47 =	vshrl.u32 v2, $0xE;
	_ =	sdelay $0x1  }
0x102: {  	[tilespmem:s13+$0x5120] =	vst v47;
	v48 =	vpop (erf)  }
0x103: {  	[tilespmem:s13+$0xA210] =	vst v48  }
0x104: {  	v0 =	vld.idx.msk [tilespmem:v46+s8+$0x0], $0xffff  }
0x105: {  	v1 =	vld.idx.msk [tilespmem:v47+s9+$0x0], $0xffff;
	_ =	sdelay $0x4  }
0x106: {  	v0 =	vadd.f32 v1, v0;
	_ =	sdelay $0x1  }
0x107: {  	v1 =	vmul.f32 $2.000000030e-01, v0  }
0x108: {  	vm10 =	vge.f32 v0, $0.0e+00  }
0x109: {  	v0 =	vsel vm10, v0, v1  }
0x10a: {  	v0 =	vmul.f32 $1.442695020e+00, v0;
	_ =	sdelay $0x1  }
0x10b: {  	(erf) = vpow2.f32 v0;
	_ =	sdelay $0x5  }
0x10c: {  	v49 =	vand.u32 $0x3FFF, v3  }
0x10d: {  	v50 =	vshrl.u32 v3, $0xE;
	_ =	sdelay $0x1  }
0x10e: {  	[tilespmem:s13+$0x5130] =	vst v50;
	v51 =	vpop (erf)  }
0x10f: {  	[tilespmem:s13+$0xA220] =	vst v51  }
0x110: {  	v0 =	vld.idx.msk [tilespmem:v49+s8+$0x0], $0xffff  }
0x111: {  	v1 =	vld.idx.msk [tilespmem:v50+s9+$0x0], $0xffff;
	_ =	sdelay $0x4  }
0x112: {  	v0 =	vadd.f32 v1, v0;
	_ =	sdelay $0x1  }
0x113: {  	v1 =	vmul.f32 $2.000000030e-01, v0  }
0x114: {  	vm11 =	vge.f32 v0, $0.0e+00  }
0x115: {  	v0 =	vsel vm11, v0, v1  }
0x116: {  	v0 =	vmul.f32 $1.442695020e+00, v0;
	_ =	sdelay $0x1  }
0x117: {  	(erf) = vpow2.f32 v0;
	_ =	sdelay $0x5  }
0x118: {  	v52 =	vand.u32 $0x3FFF, v4  }
0x119: {  	v53 =	vshrl.u32 v4, $0xE;
	_ =	sdelay $0x1  }
0x11a: {  	[tilespmem:s13+$0x5140] =	vst v53;
	v54 =	vpop (erf)  }
0x11b: {  	[tilespmem:s13+$0xA230] =	vst v54  }
0x11c: {  	v0 =	vld.idx.msk [tilespmem:v52+s8+$0x0], $0xffff  }
0x11d: {  	v1 =	vld.idx.msk [tilespmem:v53+s9+$0x0], $0xffff;
	_ =	sdelay $0x4  }
0x11e: {  	v0 =	vadd.f32 v1, v0;
	_ =	sdelay $0x1  }
0x11f: {  	v1 =	vmul.f32 $2.000000030e-01, v0  }
0x120: {  	vm12 =	vge.f32 v0, $0.0e+00  }
0x121: {  	v0 =	vsel vm12, v0, v1  }
0x122: {  	v0 =	vmul.f32 $1.442695020e+00, v0;
	_ =	sdelay $0x1  }
0x123: {  	(erf) = vpow2.f32 v0;
	_ =	sdelay $0x5  }
0x124: {  	v55 =	vand.u32 $0x3FFF, v6  }
0x125: {  	v56 =	vshrl.u32 v6, $0xE;
	_ =	sdelay $0x1  }
0x126: {  	[tilespmem:s13+$0x5150] =	vst v56;
	v57 =	vpop (erf)  }
0x127: {  	[tilespmem:s13+$0xA240] =	vst v57  }
0x128: {  	v0 =	vld.idx.msk [tilespmem:v55+s8+$0x0], $0xffff  }
0x129: {  	v1 =	vld.idx.msk [tilespmem:v56+s9+$0x0], $0xffff;
	_ =	sdelay $0x4  }
0x12a: {  	v0 =	vadd.f32 v1, v0;
	_ =	sdelay $0x1  }
0x12b: {  	v1 =	vmul.f32 $2.000000030e-01, v0  }
0x12c: {  	vm13 =	vge.f32 v0, $0.0e+00  }
0x12d: {  	v0 =	vsel vm13, v0, v1  }
0x12e: {  	v0 =	vmul.f32 $1.442695020e+00, v0;
	_ =	sdelay $0x1  }
0x12f: {  	(erf) = vpow2.f32 v0;
	_ =	sdelay $0x5  }
0x130: {  	v58 =	vand.u32 $0x3FFF, v7  }
0x131: {  	v59 =	vshrl.u32 v7, $0xE;
	_ =	sdelay $0x1  }
0x132: {  	[tilespmem:s13+$0x5160] =	vst v59;
	v60 =	vpop (erf)  }
0x133: {  	[tilespmem:s13+$0xA250] =	vst v60  }
0x134: {  	v0 =	vld.idx.msk [tilespmem:v58+s8+$0x0], $0xffff  }
0x135: {  	v1 =	vld.idx.msk [tilespmem:v59+s9+$0x0], $0xffff;
	_ =	sdelay $0x4  }
0x136: {  	v0 =	vadd.f32 v1, v0;
	_ =	sdelay $0x1  }
0x137: {  	v1 =	vmul.f32 $2.000000030e-01, v0  }
0x138: {  	vm14 =	vge.f32 v0, $0.0e+00  }
0x139: {  	v0 =	vsel vm14, v0, v1  }
0x13a: {  	v0 =	vmul.f32 $1.442695020e+00, v0;
	_ =	sdelay $0x1  }
0x13b: {  	(erf) = vpow2.f32 v0;
	_ =	sdelay $0x5  }
0x13c: {  	v61 =	vand.u32 $0x3FFF, v8  }
0x13d: {  	v62 =	vshrl.u32 v8, $0xE;
	_ =	sdelay $0x1  }
0x13e: {  	[tilespmem:s13+$0x5170] =	vst v62;
	v63 =	vpop (erf)  }
0x13f: {  	[tilespmem:s13+$0xA260] =	vst v63  }
0x140: {  	v0 =	vld.idx.msk [tilespmem:v61+s8+$0x0], $0xffff  }
0x141: {  	v1 =	vld.idx.msk [tilespmem:v62+s9+$0x0], $0xffff;
	_ =	sdelay $0x4  }
0x142: {  	v0 =	vadd.f32 v1, v0;
	_ =	sdelay $0x1  }
0x143: {  	v1 =	vmul.f32 $2.000000030e-01, v0  }
0x144: {  	vm15 =	vge.f32 v0, $0.0e+00  }
0x145: {  	v0 =	vsel vm15, v0, v1  }
0x146: {  	v0 =	vmul.f32 $1.442695020e+00, v0;
	_ =	sdelay $0x1  }
0x147: {  	(erf) = vpow2.f32 v0;
	_ =	sdelay $0x8  }
0x148: {  	v0 =	vpop (erf)  }
0x149: {  	s30 =	simm.s32 $0xA200;
	s31 =	simm.s32 $0x5100;
	[tilespmem:s13+$0xA270] =	vst v0  }
0x14a: {  	s8 =	simm.s32 $0x80;
	s9 =	simm.s32 $0x1;
	[bflag:$0x0] =	sbarrier.arrive $0xFFFF  }
0x14b: {  	[spmem:s3] =	stream.indirect.scatter.add.f32 [tilespmem:s30], [sflag:$0x1], $0x1, s31, s8, $0xb8;
	[tilespmem:$0x16D80] =	vst v63  }
0x14c: {  	s10 =	simm.s32 $0x200;
	_ =	swait.ge [sflag:s9], $0x80  }
.LBB2_5:
0x14d: {  	s11 =	sshra.s32 s10, $0x2  }
0x14e: {  	[sflag:s9] =	ssyncset.done $0x0;
	p0 =	sne.s32 s10, $0x14200;
	s12 =	sadd.s32 $0xA200, s11  }
.Ltmp2:
0x14f: {  	s11 =	sadd.s32 $0x5100, s11;
	[sflag:s9] =	ssyncadd.s32 $0xFFFFFF80;
	(pc) =	sbr.rel @p0 .LBB2_5-.Ltmp2, $3  }
0x150: {  	[spmem:s3] =	stream.indirect.scatter.add.f32 [tilespmem:s12], [sflag:$0x1], $0x1, s11, s8, $0xb8;
	[tilespmem:$0x16D80] =	vst v63  }
0x151: {  	s10 =	sadd.s32 $0x200, s10;
	_ =	sdelay $0x1  }
0x152: {  	_ =	swait.ge [sflag:s9], $0x80  }
0x153: {  	[sflag:s9] =	ssyncset.done $0x0  }
0x154: {  	s2 =	sadd.s32 s5, s2;
	s3 =	simm.s32 $0x0;
	[sflag:s9] =	ssyncadd.s32 $0xFFFFFF80  }
0x155: {  	s26 =	simm.s32 $0xA200;
	s28 =	simm.s32 $0x1;
	[bflag:$0x0] =	sbarrier.arrive $0xFFFF  }
0x156: {  	[hbm4b:s2+s3] =	stream.linear.scatter [tilespmem:s26], [sflag:$0x1], $0x5100, $0x38;
	[tilespmem:$0x16D80] =	vst v63  }
0x157: {  	s29 =	sshrl.u32 s7, $0x3;
	_ =	swait.ge [sflag:s28], $0x5100  }
0x158: {  	s30 =	sshll.u32 s0, $0x6;
	s31 =	sshrl.u32 s6, $0x3;
	[sflag:s28] =	ssyncset.done $0x0  }
0x159: {  	s3 =	sadd.s32 s4, s29;
	s4 =	sor.u32 $0x1C01, s30;
	[sflag:s28] =	ssyncadd.s32 $0xFFFFAF00  }
0x15a: {  	[hbm:s3], [sflag:s4] =	dma.local [spmem:s31], $0x50  }
0x15b: {  	_ =	swait.ge [sflag:s28], $0x50  }
0x15c: {  	[sflag:s28] =	ssyncset.done $0x0  }
0x15d: {  	[sflag:s28] =	ssyncadd.s32 $0xFFFFFFB0  }
0x15e: {  	_ =	sfence.sel $0x180000  }
0x15f: {  	[bflag:$0x0] =	sbarrier.arrive $0xFFFF  }
0x160: {  	p0 =	sne.s32 s0, $0x0;
	_ =	strace $0x90000047  }
0x161: {  	s0 =	sadd.s32 @!p0 $0x100000, s1;
	[bflag:$0x2] =	sbarrier.arrive $0xFFFF  }
0x162: {  	[sflag:s0] =	ssyncadd.tile.s32 @!p0 $0x1;
	_ =	shalt  }
.Lfunc_end2:
_tile_overlayer_lowered:
.L_overlay_start_2:
0x163: {  	(tag) =	ssettag $0x2  }
0x164: {  	s0 =	rddreg [dreg:$0x0];
	s2 =	stileid.u32  }
0x165: {  	s1 =	rddreg [dreg:$0x1];
	p0 =	sne.s32 s2, $0x0  }
0x166: {  	s3 =	rddreg [dreg:$0x2];
	[bflag:$0x3] =	sbarrier.arrive $0xFFFF;
	s2 =	simm.s32 @!p0 $0x1C01  }
0x167: {  	[timem:s3], [sflag:s2] =	dma.local @!p0 [hbm:s0], s1  }
0x168: {  	s0 =	simm.s32 @!p0 $0x1  }
0x169: {  	_ =	swait.ge @!p0 [sflag:s0], s1  }
0x16a: {  	s1 =	ssub.s32 @!p0 $0x0, s1;
	[sflag:s0] =	ssyncset.done @!p0 $0x0  }
0x16b: {  	[sflag:s0] =	ssyncadd.s32 @!p0 s1  }
0x16c: {  	[bflag:$0x3] =	sbarrier.arrive $0xFFFF  }
0x16d: {  	_ =	shalt  }

// kernel: _edge_call.7.cloned.1.call-start
scs
__scs_entry_jumppad:
0x0: {  	(pc) =	sbr.rel $0x88, $3  }
0x1: {  	(tag) =	ssettag $0x0;
	lr =	simm.s32 $0x1  }
0x2: {  	[smem:$0x3F9D] =	sst lr;
	_ =	strace $0xD0000000  }
0x3: {  	_ = 	snop  }
0x4: {  	_ = 	snop  }
0x5: {  	_ = 	snop  }
0x6: {  	_ = 	snop  }
0x7: {  	_ = 	snop  }
__scs_overlays_trampoline_lowered:
0x8: {  	[smem:$0x3FAC] =	sst s0  }
0x9: {  	[smem:$0x3FAD] =	sst s1  }
0xa: {  	[smem:$0x3FAE] =	sst s2  }
0xb: {  	[smem:$0x3FAF] =	sst s3  }
0xc: {  	[smem:$0x3FB0] =	sst s4  }
0xd: {  	[smem:$0x3FB1] =	sst s5  }
0xe: {  	[smem:$0x3FB2] =	sst s6  }
0xf: {  	[smem:$0x3FB3] =	sst s7  }
0x10: {  	[smem:$0x3FB4] =	sst s8  }
0x11: {  	[smem:$0x3FB5] =	sst s9;
	s0 =	simm.s32 @!p0 $0x0  }
0x12: {  	s1 =	sld [smem:$0x3F9B];
	s0 =	simm.s32 @p0 $0x1  }
0x13: {  	[smem:$0x3FB6] =	sst s0;
	s0 =	simm.s32 @!p1 $0x0  }
0x14: {  	s2 =	sld [smem:$0x3F9A];
	s0 =	simm.s32 @p1 $0x1  }
0x15: {  	[smem:$0x3FB7] =	sst s0;
	s0 =	simm.s32 @!p2 $0x0  }
0x16: {  	s3 =	sld [smem:$0x3FDB];
	s0 =	simm.s32 @p2 $0x1  }
0x17: {  	s4 =	simm.s32 $0x1BF5;
	[smem:$0x3FB9] =	sst s0  }
0x18: {  	s0 =	sld [smem:$0x3F9C];
	_ =	swait.ge [sflag:s4], $0x0  }
0x19: {  	s7 =	sld [smem:$0x3F9D]  }
0x1a: {  	s8 =	sadd.s32 $0xFFFFE003, lr  }
0x1b: {  	s9 =	sadd.s32 $0xFFFFFEF7, lr;
	s5 =	simm.s32 $0xFFFFFFFF;
	p2 =	slt.u32 s8, $0xFFFFF086  }
0x1c: {  	p1 =	slt.u32 s9, $0xF7A;
	s5 =	simm.s32 @!p2 $0x0  }
0x1d: {  	s5 =	simm.s32 @p1 $0x1;
	p0 =	seq.s32 s7, s2  }
0x1e: {  	s7 =	smul.u32 @!p0 $0xF7A, s2;
	p2 =	seq.s32 @!p0 s5, $0x0  }
0x1f: {  	s9 =	smul.u32 $0xF7A, s1;
	s8 =	simm.s32 @!p0 $0x1BF5;
	p2 =	por !p2, p0  }
0x20: {  	[sflag:s8] =	ssyncset.s32 @!p0 $0xFFFFF086;
	s6 =	sadd.s32 @!p0 s3, s7;
	s7 =	simm.s32 @!p0 $0x108  }
0x21: {  	s3 =	sadd.s32 s3, s9;
	s6 =	sadd.s32 @!p0 $0x88, s6;
	s7 =	simm.s32 @p2 $0x1082  }
0x22: {  	[simem:s7], [sflag:s8] =	dma.local @!p0 [hbm:s6], $0xF7A  }
0x23: {  	s9 =	sor.u32 $0xD0000000, s2;
	s6 =	simm.s32 $0x108;
	_ =	swait.ge @!p0 [sflag:s8], $0x0  }
0x24: {  	s3 =	sadd.s32 $0x88, s3;
	s6 =	simm.s32 @!p1 $0x1082;
	[sflag:s4] =	ssyncset.s32 $0xFFFFF086  }
0x25: {  	[simem:s6], [sflag:s4] =	dma.local [hbm:s3], $0xF7A  }
0x26: {  	[smem:$0x3F9D] =	sst s1;
	(tag) =	ssettag s2;
	_ =	strace s9  }
0x27: {  	s1 =	sld [smem:$0x3FAD]  }
0x28: {  	s2 =	sld [smem:$0x3FAE]  }
0x29: {  	s4 =	sld [smem:$0x3FB0]  }
0x2a: {  	p0 =	seq.s32 s5, $0x0;
	s5 =	sld [smem:$0x3FB1]  }
0x2b: {  	s6 =	sld [smem:$0x3FB2]  }
0x2c: {  	s7 =	sld [smem:$0x3FB3]  }
0x2d: {  	s3 =	simm.s32 $0x108;
	s8 =	sld [smem:$0x3FB4]  }
0x2e: {  	s3 =	simm.s32 @!p0 $0x1082;
	s9 =	sld [smem:$0x3FB5]  }
0x2f: {  	lr =	sadd.s32 s0, s3;
	s0 =	sld [smem:$0x3FAC]  }
0x30: {  	s3 =	sld [smem:$0x3FAF]  }
0x31: {  	[smem:$0x3FB8] =	sst s10  }
0x32: {  	s10 =	sld [smem:$0x3FB6];
	_ =	sdelay $0x3  }
0x33: {  	p0 =	seq.s32 s10, $0x1;
	s10 =	sld [smem:$0x3FB8];
	_ =	sdelay $0x3  }
0x34: {  	[smem:$0x3FB8] =	sst s10  }
0x35: {  	s10 =	sld [smem:$0x3FB7];
	_ =	sdelay $0x3  }
0x36: {  	p1 =	seq.s32 s10, $0x1;
	s10 =	sld [smem:$0x3FB8];
	_ =	sdelay $0x3  }
0x37: {  	[smem:$0x3FB8] =	sst s10  }
0x38: {  	s10 =	sld [smem:$0x3FB9]  }
0x39: {  	_ = 	snop;
	(pc) =	sbr.ind lr, $3  }
0x3a: {  	_ = 	snop  }
0x3b: {  	_ = 	snop  }
0x3c: {  	p2 =	seq.s32 s10, $0x1;
	s10 =	sld [smem:$0x3FB8]  }
0x3d: {  	_ =	shalt  }
0x3e: {  	_ =	shalt  }
0x3f: {  	_ =	shalt  }
0x40: {  	_ =	shalt  }
0x41: {  	_ =	shalt  }
0x42: {  	_ =	shalt  }
0x43: {  	_ =	shalt  }
0x44: {  	_ =	shalt  }
0x45: {  	_ =	shalt  }
0x46: {  	_ =	shalt  }
0x47: {  	_ =	shalt  }
0x48: {  	_ =	shalt  }
0x49: {  	_ =	shalt  }
0x4a: {  	_ =	shalt  }
0x4b: {  	_ =	shalt  }
0x4c: {  	_ =	shalt  }
0x4d: {  	_ =	shalt  }
0x4e: {  	_ =	shalt  }
0x4f: {  	_ =	shalt  }
0x50: {  	_ =	shalt  }
0x51: {  	_ =	shalt  }
0x52: {  	_ =	shalt  }
0x53: {  	_ =	shalt  }
0x54: {  	_ =	shalt  }
0x55: {  	_ =	shalt  }
0x56: {  	_ =	shalt  }
0x57: {  	_ =	shalt  }
0x58: {  	_ =	shalt  }
0x59: {  	_ =	shalt  }
0x5a: {  	_ =	shalt  }
0x5b: {  	_ =	shalt  }
0x5c: {  	_ =	shalt  }
0x5d: {  	_ =	shalt  }
0x5e: {  	_ =	shalt  }
0x5f: {  	_ =	shalt  }
0x60: {  	_ =	shalt  }
0x61: {  	_ =	shalt  }
0x62: {  	_ =	shalt  }
0x63: {  	_ =	shalt  }
0x64: {  	_ =	shalt  }
0x65: {  	_ =	shalt  }
0x66: {  	_ =	shalt  }
0x67: {  	_ =	shalt  }
0x68: {  	_ =	shalt  }
0x69: {  	_ =	shalt  }
0x6a: {  	_ =	shalt  }
0x6b: {  	_ =	shalt  }
0x6c: {  	_ =	shalt  }
0x6d: {  	_ =	shalt  }
0x6e: {  	_ =	shalt  }
0x6f: {  	_ =	shalt  }
0x70: {  	_ =	shalt  }
0x71: {  	_ =	shalt  }
0x72: {  	_ =	shalt  }
0x73: {  	_ =	shalt  }
0x74: {  	_ =	shalt  }
0x75: {  	_ =	shalt  }
0x76: {  	_ =	shalt  }
0x77: {  	_ =	shalt  }
0x78: {  	_ =	shalt  }
0x79: {  	_ =	shalt  }
0x7a: {  	_ =	shalt  }
0x7b: {  	_ =	shalt  }
0x7c: {  	_ =	shalt  }
0x7d: {  	_ =	shalt  }
0x7e: {  	_ =	shalt  }
0x7f: {  	_ =	shalt  }
0x80: {  	_ =	shalt  }
0x81: {  	_ =	shalt  }
0x82: {  	_ =	shalt  }
0x83: {  	_ =	shalt  }
0x84: {  	_ =	shalt  }
0x85: {  	_ =	shalt  }
0x86: {  	_ =	shalt  }
0x87: {  	_ =	shalt  }
.Lfunc_end0:
.L_simem_size_0:
called_computation.1_lowered:
.L_overlay_start_0:
0x88: {  	s0 =	sld [smem:$0x3FD9]  }
0x89: {  	s1 =	sld [smem:$0x3FFE];
	_ =	sdelay $0x3  }
0x8a: {  	s0 =	sadd.s32 s1, s0  }
0x8b: {  	[smem:$0x3FC4] =	sst s0  }
0x8c: {  	_ = 	snop  }
0x8d: {  	s0 =	sld [smem:$0x3FD0];
	(tm) =	ssettm $0x1  }
0x8e: {  	s16 =	sld [smem:$0x3FFB];
	_ =	sdelay $0x3  }
0x8f: {  	_ =	strace s16  }
0x90: {  	s1 =	sld [smem:$0x3FFC];
	_ =	sdelay $0x3  }
0x91: {  	_ =	strace s1  }
0x92: {  	s1 =	sld [smem:$0x3FFD];
	_ =	sdelay $0x3  }
0x93: {  	_ =	strace s1  }
0x94: {  	_ =	strace $0x8FFFFFFF  }
0x95: {  	s17 =	sld [smem:$0x3FDB];
	_ =	sdelay $0x1  }
0x96: {  	s2 =	simm.s32 $_scs_section_size  }
0x97: {  	s3 =	simm.s32 $_size__tile_overlayer_lowered;
	s4 =	simm.s32 $_tile_overlayer_lowered  }
0x98: {  	s20 =	simm.s32 $0x1BFF;
	s19 =	sshll.u32 s4, $0x1;
	s1 =	sadd.s32 s2, s17  }
0x99: {  	s5 =	simm.s32 $0x0;
	s18 =	sshll.u32 s3, $0x1;
	s3 =	sadd.s32 s19, s1  }
0x9a: {  	[timem:s5], [sflag:s20] =	dma.local [hbm:s3], s18  }
0x9b: {  	_ =	swait.ge [sflag:s20], s18  }
0x9c: {  	s2 =	ssub.s32 $0x0, s18;
	[sflag:s20] =	ssyncset.done $0x0  }
0x9d: {  	[sflag:s20] =	ssyncadd.s32 s2;
	_ =	sdelay $0x1  }
0x9e: {  	s21 =	simm.s32 $0x1B8B  }
0x9f: {  	_ =	swait.ge [sflag:s21], $0x1  }
0xa0: {  	[sflag:s21] =	ssyncset.done $0x0  }
0xa1: {  	s23 =	simm.s32 $0x1B8E;
	s22 =	sld [smem:$0x3FFE];
	[sflag:s21] =	ssyncadd.s32 $0xFFFFFFFF  }
0xa2: {  	s24 =	simm.s32 $execute0_lowered;
	[smem:$0x3FD2] =	sst s23  }
0xa3: {  	s3 =	sshll.u32 s24, $0x1;
	_ =	strace $0x80000049;
	[dreg:$0x1] =	wrdreg $0xFFFFFFFF  }
0xa4: {  	s25 =	simm.s32 $_size_execute0_lowered;
	s1 =	sadd.s32 s1, s3;
	[dreg:$0x0] =	wrdreg $0x0  }
0xa5: {  	s3 =	sshll.u32 s25, $0x1;
	[dreg:$0x2] =	wrdreg s1  }
0xa6: {  	[dreg:$0x3] =	wrdreg s3  }
0xa7: {  	[dreg:$0x4] =	wrdreg $0xC0  }
0xa8: {  	_ =	task [dreg:s5], $0x5FFFF  }
0xa9: {  	[dreg:$0x1] =	wrdreg $0xFFFFFFFF  }
0xaa: {  	[dreg:$0x0] =	wrdreg $0x60  }
0xab: {  	[dreg:$0x2] =	wrdreg s22  }
0xac: {  	[dreg:$0x3] =	wrdreg s0  }
0xad: {  	[dreg:$0x4] =	wrdreg $0x14C000  }
0xae: {  	[dreg:$0x5] =	wrdreg $0x9  }
0xaf: {  	_ =	task.clear_ibuf [dreg:s5], $0x6FFFF;
	_ =	strace $0x90000049  }
0xb0: {  	s26 =	simm.s32 $0x9;
	_ =	strace $0x8000004B  }
0xb1: {  	_ =	swait.ge [sflag:s26], $0x1  }
0xb2: {  	[sflag:s26] =	ssyncadd.s32 $0xFFFFFFFF  }
0xb3: {  	_ =	strace $0x9000004B  }
0xb4: {  	_ =	sfence  }
0xb5: {  	s28 =	sld [smem:$0x0];
	_ =	sdelay $0x1  }
0xb6: {  	s29 =	srdreg.scid  }
0xb7: {  	s30 =	sshll.u32 s29, $0xD;
	s31 =	sshrl.u32 s29, $0x2  }
0xb8: {  	s2 =	sand.u32 $0x4000, s30;
	s1 =	sand.u32 $0x1, s29;
	s0 =	sadd.s32 s31, s28  }
0xb9: {  	s1 =	sor.u32 s2, s1;
	s0 =	sshll.u32 s0, $0x11  }
0xba: {  	s0 =	sor.u32 s0, s1  }
0xbb: {  	s0 =	sadd.s32 $0x8F2B, s0  }
0xbc: {  	[sflag:s0] =	ssyncadd.remote.s32 $0x1  }
0xbd: {  	_ =	sfence.sel $0xFFFF  }
0xbe: {  	[dreg:$0x0] =	wrdreg $0xFFFFFFFF;
	(pc) =	sbr.abs _section_cstart, $3  }
0xbf: {  	[dreg:$0x1] =	wrdreg $0xFFFFFFFF  }
0xc0: {  	_ =	task.clear_ibuf [dreg:s5], $0x2FFFF;
	_ =	strace $0x9FFFFFFF  }
0xc1: {  	(tm) =	ssettm $0x7FFFFFFF  }
tec
execute0_lowered:
.L_overlay_start_1:
0x0: {  	(tag) =	ssettag $0x1  }
0x1: {  	s4 =	rddreg [dreg:$0x0]  }
0x2: {  	s3 =	rddreg [dreg:$0x1];
	s0 =	stileid.u32  }
0x3: {  	s2 =	rddreg [dreg:$0x2];
	s5 =	smul.u32 $0xA20, s0  }
0x4: {  	s1 =	rddreg [dreg:$0x3];
	s6 =	simm.s32 $0x0  }
0x5: {  	[smem:$0x7FF] =	sst s6;
	s5 =	sadd.s32 s5, s4  }
0x6: {  	s29 =	simm.s32 $0x5;
	_ =	strace $0x8000004A;
	s7 =	sadd.s32 $0xE00, s5  }
0x7: {  	[tilespmem:s6], [sflag:$0x5] =	stream.linear.gather [hbm4b:s7+s6], $0x5100, $0x38;
	[tilespmem:$0x1EC00] =	vst v63  }
0x8: {  	_ =	swait.ge [sflag:s29], $0x5100  }
0x9: {  	[sflag:s29] =	ssyncset.done $0x0  }
0xa: {  	s8 =	simm.s32 $0x5100;
	s5 =	sadd.s32 $0xB000, s5;
	[sflag:s29] =	ssyncadd.s32 $0xFFFFAF00  }
0xb: {  	[tilespmem:s8], [sflag:$0x5] =	stream.linear.gather [hbm4b:s5+s6], $0x5100, $0x38;
	[tilespmem:$0x1EC00] =	vst v63  }
0xc: {  	_ =	swait.ge [sflag:s29], $0x5100  }
0xd: {  	[sflag:s29] =	ssyncset.done $0x0  }
0xe: {  	s31 =	simm.s32 $0xA200;
	s30 =	sadd.s32 $0x15200, s4;
	[sflag:s29] =	ssyncadd.s32 $0xFFFFAF00  }
0xf: {  	[tilespmem:s31], [sflag:$0x5] =	stream.linear.gather [hbm4b:s30+s6], $0x2800, $0x38;
	[tilespmem:$0x1EC00] =	vst v63  }
0x10: {  	_ =	swait.ge [sflag:s29], $0x2800  }
0x11: {  	s4 =	sadd.s32 $0x15800, s4;
	[sflag:s29] =	ssyncset.done $0x0  }
0x12: {  	v0 =	vimm.f32 $0.0e+00;
	s5 =	simm.s32 $0x0;
	s6 =	simm.s32 $0x100;
	[sflag:s29] =	ssyncadd.s32 $0xFFFFD800  }
.LBB2_1:
0x13: {  	p0 =	sne.s32 s6, $0x7F00;
	[tilespmem:s5+$0x10A30] =	vst v0;
	s7 =	smov.u32 s6;
	s6 =	sadd.s32 $0x100, s6  }
.Ltmp0:
0x14: {  	[tilespmem:s5+$0x10A20] =	vst v0;
	(pc) =	sbr.rel @p0 .LBB2_1-.Ltmp0, $3  }
0x15: {  	[tilespmem:s5+$0x10A00] =	vst v0  }
0x16: {  	[tilespmem:s5+$0x10A10] =	vst v0;
	_ =	sdelay $0x1  }
0x17: {  	s5 =	sshra.s32 s7, $0x2  }
0x18: {  	[tilespmem:s5+$0x10A30] =	vst v0;
	s6 =	smul.u32 $0x28000, s0  }
0x19: {  	[tilespmem:s5+$0x10A20] =	vst v0  }
0x1a: {  	[tilespmem:s5+$0x10A00] =	vst v0;
	s6 =	sshrl.u32 s6, $0x2  }
0x1b: {  	[tilespmem:s5+$0x10A10] =	vst v0;
	s5 =	simm.s32 $0x10A00;
	s7 =	simm.s32 $0x5;
	s6 =	sadd.s32 s6, s2  }
0x1c: {  	[spmem:s6] =	stream.linear.scatter [tilespmem:s5], [sflag:$0x5], $0x2000, $0x38;
	[tilespmem:$0x1EC00] =	vst v63  }
0x1d: {  	_ =	swait.ge [sflag:s7], $0x2000  }
0x1e: {  	[sflag:s7] =	ssyncset.done $0x0  }
0x1f: {  	s8 =	sadd.s32 $0x2000, s6;
	[sflag:s7] =	ssyncadd.s32 $0xFFFFE000  }
0x20: {  	[spmem:s8] =	stream.linear.scatter [tilespmem:s5], [sflag:$0x5], $0x2000, $0x38;
	[tilespmem:$0x1EC00] =	vst v63  }
0x21: {  	_ =	swait.ge [sflag:s7], $0x2000  }
0x22: {  	[sflag:s7] =	ssyncset.done $0x0  }
0x23: {  	s30 =	sadd.s32 $0x4000, s6;
	[sflag:s7] =	ssyncadd.s32 $0xFFFFE000  }
0x24: {  	[spmem:s30] =	stream.linear.scatter [tilespmem:s5], [sflag:$0x5], $0x2000, $0x38;
	[tilespmem:$0x1EC00] =	vst v63  }
0x25: {  	_ =	swait.ge [sflag:s7], $0x2000  }
0x26: {  	[sflag:s7] =	ssyncset.done $0x0  }
0x27: {  	s31 =	sadd.s32 $0x6000, s6;
	[sflag:s7] =	ssyncadd.s32 $0xFFFFE000  }
0x28: {  	[spmem:s31] =	stream.linear.scatter [tilespmem:s5], [sflag:$0x5], $0x2000, $0x38;
	[tilespmem:$0x1EC00] =	vst v63  }
0x29: {  	_ =	swait.ge [sflag:s7], $0x2000  }
0x2a: {  	[sflag:s7] =	ssyncset.done $0x0  }
0x2b: {  	s6 =	sadd.s32 $0x8000, s6;
	[sflag:s7] =	ssyncadd.s32 $0xFFFFE000  }
0x2c: {  	[spmem:s6] =	stream.linear.scatter [tilespmem:s5], [sflag:$0x5], $0x2000, $0x38;
	[tilespmem:$0x1EC00] =	vst v63  }
0x2d: {  	_ =	swait.ge [sflag:s7], $0x2000  }
0x2e: {  	[sflag:s7] =	ssyncset.done $0x0  }
0x2f: {  	[sflag:s7] =	ssyncadd.s32 $0xFFFFE000  }
0x30: {  	[bflag:$0x0] =	sbarrier.arrive $0xFFFF  }
0x31: {  	v0 =	vld [tilespmem:$0x0]  }
0x32: {  	v1 =	vld [tilespmem:$0x10]  }
0x33: {  	v2 =	vld [tilespmem:$0x20]  }
0x34: {  	v3 =	vld [tilespmem:$0x30]  }
0x35: {  	v4 =	vld [tilespmem:$0x40]  }
0x36: {  	v5 =	vld [tilespmem:$0x50];
	v0 =	vand.u32 $0x3FFF, v0  }
0x37: {  	[tilespmem:$0x14A00] =	vst v0;
	v0 =	vand.u32 $0x3FFF, v1;
	v1 =	vld [tilespmem:$0x60]  }
0x38: {  	[tilespmem:$0x14A10] =	vst v0;
	v0 =	vand.u32 $0x3FFF, v2;
	v2 =	vld [tilespmem:$0x70]  }
0x39: {  	[tilespmem:$0x14A20] =	vst v0;
	v0 =	vand.u32 $0x3FFF, v3  }
0x3a: {  	[tilespmem:$0x14A30] =	vst v0;
	v0 =	vand.u32 $0x3FFF, v4  }
0x3b: {  	[tilespmem:$0x14A40] =	vst v0;
	v0 =	vand.u32 $0x3FFF, v5  }
0x3c: {  	[tilespmem:$0x14A50] =	vst v0;
	v0 =	vand.u32 $0x3FFF, v1  }
0x3d: {  	[tilespmem:$0x14A60] =	vst v0;
	v0 =	vand.u32 $0x3FFF, v2  }
0x3e: {  	s9 =	simm.s32 $0x0;
	s10 =	simm.s32 $0x14A80;
	[tilespmem:$0x14A70] =	vst v0;
	v0 =	vlaneseq.u32  }
0x3f: {  	s11 =	simm.s32 $0xEA00;
	s12 =	simm.s32 $0x1;
	s13 =	simm.s32 $0xA200;
	v0 =	vmul.u32 $0x40, v0  }
0x40: {  	s14 =	simm.s32 $0x14B00;
	s15 =	simm.s32 $0x2;
	s16 =	simm.s32 $0x4  }
0x41: {  	s17 =	simm.s32 $0x12A00;
	s18 =	simm.s32 $0x14B80;
	s19 =	simm.s32 $0x0;
	v1 =	vor.u32 $0x400, v0  }
0x42: {  	s8 =	simm.s32 $0xCA00;
	s6 =	simm.s32 $0x80;
	s7 =	simm.s32 $0x14A00;
	v2 =	vor.u32 $0x800, v0;
	v3 =	vor.u32 $0xC00, v0;
	v4 =	vor.u32 $0x1000, v0  }
0x43: {  	[tilespmem:s8], [sflag:$0x1] =	stream.indirect.gather [hbm4b:s4+s6], $0x40, s7, s6, $0xb8;
	v5 =	vor.u32 $0x1400, v0;
	v6 =	vor.u32 $0x1800, v0;
	v7 =	vor.u32 $0x1C00, v0;
	[tilespmem:$0x1EC00] =	vst v63  }
.LBB2_3:
0x44: {  	s20 =	sshllo.u32 s19, $0x1  }
0x45: {  	s20 =	sshll.u32 s20, $0x7  }
0x46: {  	s21 =	sand.u32 $0x3FFFFF80, s20  }
0x47: {  	v8 =	vld [tilespmem:s21+$0x0];
	_ =	sdelay $0x4  }
0x48: {  	v8 =	vand.u32 $0x3FFF, v8  }
0x49: {  	[tilespmem:$0x14A80] =	vst v8  }
0x4a: {  	v8 =	vld [tilespmem:s21+$0x10];
	_ =	sdelay $0x4  }
0x4b: {  	v8 =	vand.u32 $0x3FFF, v8  }
0x4c: {  	[tilespmem:$0x14A90] =	vst v8  }
0x4d: {  	v8 =	vld [tilespmem:s21+$0x20];
	_ =	sdelay $0x4  }
0x4e: {  	v8 =	vand.u32 $0x3FFF, v8  }
0x4f: {  	[tilespmem:$0x14AA0] =	vst v8  }
0x50: {  	v8 =	vld [tilespmem:s21+$0x30];
	_ =	sdelay $0x4  }
0x51: {  	v8 =	vand.u32 $0x3FFF, v8  }
0x52: {  	[tilespmem:$0x14AB0] =	vst v8  }
0x53: {  	v8 =	vld [tilespmem:s21+$0x40];
	_ =	sdelay $0x4  }
0x54: {  	v8 =	vand.u32 $0x3FFF, v8  }
0x55: {  	[tilespmem:$0x14AC0] =	vst v8  }
0x56: {  	v8 =	vld [tilespmem:s21+$0x50];
	_ =	sdelay $0x4  }
0x57: {  	v8 =	vand.u32 $0x3FFF, v8  }
0x58: {  	[tilespmem:$0x14AD0] =	vst v8  }
0x59: {  	v8 =	vld [tilespmem:s21+$0x60];
	_ =	sdelay $0x4  }
0x5a: {  	v8 =	vand.u32 $0x3FFF, v8  }
0x5b: {  	[tilespmem:$0x14AE0] =	vst v8  }
0x5c: {  	v8 =	vld [tilespmem:s21+$0x70];
	_ =	sdelay $0x4  }
0x5d: {  	v8 =	vand.u32 $0x3FFF, v8  }
0x5e: {  	[tilespmem:$0x14AF0] =	vst v8  }
0x5f: {  	[tilespmem:s11], [sflag:$0x2] =	stream.indirect.gather [hbm4b:s4+s6], $0x40, s10, s6, $0xb8;
	[tilespmem:$0x1EC00] =	vst v63  }
0x60: {  	_ =	swait.ge [sflag:s12], $0x2000  }
0x61: {  	p0 =	seq.s32 s19, $0x0;
	[sflag:s12] =	ssyncset.done $0x0  }
0x62: {  	s21 =	simm.s32 @!p0 $0x3;
	[sflag:s12] =	ssyncadd.s32 $0xFFFFE000  }
0x63: {  	_ =	swait.ge @!p0 [sflag:s21], $0x2000  }
0x64: {  	[sflag:s21] =	ssyncset.done @!p0 $0x0  }
0x65: {  	[sflag:s21] =	ssyncadd.s32 @!p0 $0xFFFFE000;
	s21 =	sshll.u32 s19, $0x8  }
0x66: {  	v8 =	vld [tilespmem:s21+$0x0];
	_ =	sdelay $0x4  }
0x67: {  	v8 =	vshrl.u32 v8, $0xE;
	_ =	sdelay $0x3  }
0x68: {  	[tilespmem:$0x14B00] =	vst v8  }
0x69: {  	v8 =	vld.idx.msk [tilespmem:v8+s13+$0x0], $0xffff;
	_ =	sdelay $0x4  }
0x6a: {  	(erf) = vrcp.f32 v8  }
0x6b: {  	v8 =	vmov s9  }
0x6c: {  	v8 =	vand.u32 $0x3F, v8  }
0x6d: {  	v8 =	vbroadcast v8, $0x0;
	_ =	sdelay $0x1  }
0x6e: {  	v9 =	vld [tilespmem:s21+$0x5100];
	v8 =	vor.u32 v0, v8;
	_ =	sdelay $0x3  }
0x6f: {  	s22 =	simm.s32 $0x1;
	v10 =	vpop (erf)  }
0x70: {  	v11 =	vmov s22;
	s22 =	simm.s32 $0x2;
	v9 =	vmul.f32 v10, v9;
	v10 =	vld.idx.msk [tilespmem:v8+s8+$0x0], $0xffff  }
.LBB2_4:
0x71: {  	p1 =	sne.s32 s22, $0x3F;
	v11 =	vand.u32 $0x3F, v11  }
0x72: {  	v11 =	vbroadcast v11, $0x0;
	_ =	sdelay $0x1  }
0x73: {  	v12 =	vor.u32 v0, v11  }
.Ltmp1:
0x74: {  	(pc) =	sbr.rel @p1 .LBB2_4-.Ltmp1, $3  }
0x75: {  	v10 =	vmul.f32 v10, v9;
	_ =	sdelay $0x1  }
0x76: {  	[tilespmem:v8+s5+$0x0] =	vst.idx.msk $0xffff, v10;
	v8 =	vmov v12  }
0x77: {  	v11 =	vmov s22;
	s22 =	sadd.s32 $0x1, s22;
	v10 =	vld.idx.msk [tilespmem:v12+s8+$0x0], $0xffff  }
0x78: {  	v11 =	vand.u32 $0x3F, v11  }
0x79: {  	v11 =	vbroadcast v11, $0x0;
	_ =	sdelay $0x1  }
0x7a: {  	v11 =	vor.u32 v0, v11;
	_ =	sdelay $0x1  }
0x7b: {  	v10 =	vmul.f32 v10, v9;
	_ =	sdelay $0x1  }
0x7c: {  	[tilespmem:v8+s5+$0x0] =	vst.idx.msk $0xffff, v10  }
0x7d: {  	v8 =	vld.idx.msk [tilespmem:v11+s8+$0x0], $0xffff;
	_ =	sdelay $0x4  }
0x7e: {  	v8 =	vmul.f32 v8, v9;
	_ =	sdelay $0x1  }
0x7f: {  	s22 =	sor.u32 $0x10, s21;
	[tilespmem:v11+s5+$0x0] =	vst.idx.msk $0xffff, v8  }
0x80: {  	v8 =	vld [tilespmem:s22+$0x0];
	_ =	sdelay $0x4  }
0x81: {  	v8 =	vshrl.u32 v8, $0xE;
	_ =	sdelay $0x3  }
0x82: {  	[tilespmem:$0x14B10] =	vst v8  }
0x83: {  	v8 =	vld.idx.msk [tilespmem:v8+s13+$0x0], $0xffff;
	_ =	sdelay $0x4  }
0x84: {  	s30 =	simm.s32 $0x0;
	(erf) = vrcp.f32 v8  }
0x85: {  	v8 =	vmov s30  }
0x86: {  	v8 =	vand.u32 $0x3F, v8  }
0x87: {  	v8 =	vbroadcast v8, $0x0;
	_ =	sdelay $0x1  }
0x88: {  	v9 =	vld [tilespmem:s21+$0x5110];
	v8 =	vor.u32 v1, v8;
	_ =	sdelay $0x3  }
0x89: {  	s31 =	simm.s32 $0x1;
	v10 =	vpop (erf)  }
0x8a: {  	v11 =	vmov s31;
	s22 =	simm.s32 $0x2;
	v9 =	vmul.f32 v10, v9;
	v10 =	vld.idx.msk [tilespmem:v8+s8+$0x0], $0xffff  }
.LBB2_6:
0x8b: {  	p1 =	sne.s32 s22, $0x3F;
	v11 =	vand.u32 $0x3F, v11  }
0x8c: {  	v11 =	vbroadcast v11, $0x0;
	_ =	sdelay $0x1  }
0x8d: {  	v12 =	vor.u32 v1, v11  }
.Ltmp2:
0x8e: {  	(pc) =	sbr.rel @p1 .LBB2_6-.Ltmp2, $3  }
0x8f: {  	v10 =	vmul.f32 v10, v9;
	_ =	sdelay $0x1  }
0x90: {  	[tilespmem:v8+s5+$0x0] =	vst.idx.msk $0xffff, v10;
	v8 =	vmov v12  }
0x91: {  	v11 =	vmov s22;
	s22 =	sadd.s32 $0x1, s22;
	v10 =	vld.idx.msk [tilespmem:v12+s8+$0x0], $0xffff  }
0x92: {  	v11 =	vand.u32 $0x3F, v11  }
0x93: {  	v11 =	vbroadcast v11, $0x0;
	_ =	sdelay $0x1  }
0x94: {  	v11 =	vor.u32 v1, v11;
	_ =	sdelay $0x1  }
0x95: {  	v10 =	vmul.f32 v10, v9;
	_ =	sdelay $0x1  }
0x96: {  	[tilespmem:v8+s5+$0x0] =	vst.idx.msk $0xffff, v10  }
0x97: {  	v8 =	vld.idx.msk [tilespmem:v11+s8+$0x0], $0xffff;
	_ =	sdelay $0x4  }
0x98: {  	v8 =	vmul.f32 v8, v9;
	_ =	sdelay $0x1  }
0x99: {  	s22 =	sor.u32 $0x20, s21;
	[tilespmem:v11+s5+$0x0] =	vst.idx.msk $0xffff, v8  }
0x9a: {  	v8 =	vld [tilespmem:s22+$0x0];
	_ =	sdelay $0x4  }
0x9b: {  	v8 =	vshrl.u32 v8, $0xE;
	_ =	sdelay $0x3  }
0x9c: {  	[tilespmem:$0x14B20] =	vst v8  }
0x9d: {  	v8 =	vld.idx.msk [tilespmem:v8+s13+$0x0], $0xffff;
	_ =	sdelay $0x4  }
0x9e: {  	s30 =	simm.s32 $0x0;
	(erf) = vrcp.f32 v8  }
0x9f: {  	v8 =	vmov s30  }
0xa0: {  	v8 =	vand.u32 $0x3F, v8  }
0xa1: {  	v8 =	vbroadcast v8, $0x0;
	_ =	sdelay $0x1  }
0xa2: {  	v9 =	vld [tilespmem:s21+$0x5120];
	v8 =	vor.u32 v2, v8;
	_ =	sdelay $0x3  }
0xa3: {  	s31 =	simm.s32 $0x1;
	v10 =	vpop (erf)  }
0xa4: {  	v11 =	vmov s31;
	s22 =	simm.s32 $0x2;
	v9 =	vmul.f32 v10, v9;
	v10 =	vld.idx.msk [tilespmem:v8+s8+$0x0], $0xffff  }
.LBB2_8:
0xa5: {  	p1 =	sne.s32 s22, $0x3F;
	v11 =	vand.u32 $0x3F, v11  }
0xa6: {  	v11 =	vbroadcast v11, $0x0;
	_ =	sdelay $0x1  }
0xa7: {  	v12 =	vor.u32 v2, v11  }
.Ltmp3:
0xa8: {  	(pc) =	sbr.rel @p1 .LBB2_8-.Ltmp3, $3  }
0xa9: {  	v10 =	vmul.f32 v10, v9;
	_ =	sdelay $0x1  }
0xaa: {  	[tilespmem:v8+s5+$0x0] =	vst.idx.msk $0xffff, v10;
	v8 =	vmov v12  }
0xab: {  	v11 =	vmov s22;
	s22 =	sadd.s32 $0x1, s22;
	v10 =	vld.idx.msk [tilespmem:v12+s8+$0x0], $0xffff  }
0xac: {  	v11 =	vand.u32 $0x3F, v11  }
0xad: {  	v11 =	vbroadcast v11, $0x0;
	_ =	sdelay $0x1  }
0xae: {  	v11 =	vor.u32 v2, v11;
	_ =	sdelay $0x1  }
0xaf: {  	v10 =	vmul.f32 v10, v9;
	_ =	sdelay $0x1  }
0xb0: {  	[tilespmem:v8+s5+$0x0] =	vst.idx.msk $0xffff, v10  }
0xb1: {  	v8 =	vld.idx.msk [tilespmem:v11+s8+$0x0], $0xffff;
	_ =	sdelay $0x4  }
0xb2: {  	v8 =	vmul.f32 v8, v9;
	_ =	sdelay $0x1  }
0xb3: {  	s22 =	sor.u32 $0x30, s21;
	[tilespmem:v11+s5+$0x0] =	vst.idx.msk $0xffff, v8  }
0xb4: {  	v8 =	vld [tilespmem:s22+$0x0];
	_ =	sdelay $0x4  }
0xb5: {  	v8 =	vshrl.u32 v8, $0xE;
	_ =	sdelay $0x3  }
0xb6: {  	[tilespmem:$0x14B30] =	vst v8  }
0xb7: {  	v8 =	vld.idx.msk [tilespmem:v8+s13+$0x0], $0xffff;
	_ =	sdelay $0x4  }
0xb8: {  	s30 =	simm.s32 $0x0;
	(erf) = vrcp.f32 v8  }
0xb9: {  	v8 =	vmov s30  }
0xba: {  	v8 =	vand.u32 $0x3F, v8  }
0xbb: {  	v8 =	vbroadcast v8, $0x0;
	_ =	sdelay $0x1  }
0xbc: {  	v9 =	vld [tilespmem:s21+$0x5130];
	v8 =	vor.u32 v3, v8;
	_ =	sdelay $0x3  }
0xbd: {  	s31 =	simm.s32 $0x1;
	v10 =	vpop (erf)  }
0xbe: {  	v11 =	vmov s31;
	s22 =	simm.s32 $0x2;
	v9 =	vmul.f32 v10, v9;
	v10 =	vld.idx.msk [tilespmem:v8+s8+$0x0], $0xffff  }
.LBB2_10:
0xbf: {  	p1 =	sne.s32 s22, $0x3F;
	v11 =	vand.u32 $0x3F, v11  }
0xc0: {  	v11 =	vbroadcast v11, $0x0;
	_ =	sdelay $0x1  }
0xc1: {  	v12 =	vor.u32 v3, v11  }
.Ltmp4:
0xc2: {  	(pc) =	sbr.rel @p1 .LBB2_10-.Ltmp4, $3  }
0xc3: {  	v10 =	vmul.f32 v10, v9;
	_ =	sdelay $0x1  }
0xc4: {  	[tilespmem:v8+s5+$0x0] =	vst.idx.msk $0xffff, v10;
	v8 =	vmov v12  }
0xc5: {  	v11 =	vmov s22;
	s22 =	sadd.s32 $0x1, s22;
	v10 =	vld.idx.msk [tilespmem:v12+s8+$0x0], $0xffff  }
0xc6: {  	v11 =	vand.u32 $0x3F, v11  }
0xc7: {  	v11 =	vbroadcast v11, $0x0;
	_ =	sdelay $0x1  }
0xc8: {  	v11 =	vor.u32 v3, v11;
	_ =	sdelay $0x1  }
0xc9: {  	v10 =	vmul.f32 v10, v9;
	_ =	sdelay $0x1  }
0xca: {  	[tilespmem:v8+s5+$0x0] =	vst.idx.msk $0xffff, v10  }
0xcb: {  	v8 =	vld.idx.msk [tilespmem:v11+s8+$0x0], $0xffff;
	_ =	sdelay $0x4  }
0xcc: {  	v8 =	vmul.f32 v8, v9;
	_ =	sdelay $0x1  }
0xcd: {  	s22 =	sor.u32 $0x40, s21;
	[tilespmem:v11+s5+$0x0] =	vst.idx.msk $0xffff, v8  }
0xce: {  	v8 =	vld [tilespmem:s22+$0x0];
	_ =	sdelay $0x4  }
0xcf: {  	v8 =	vshrl.u32 v8, $0xE;
	_ =	sdelay $0x3  }
0xd0: {  	[tilespmem:$0x14B40] =	vst v8  }
0xd1: {  	v8 =	vld.idx.msk [tilespmem:v8+s13+$0x0], $0xffff;
	_ =	sdelay $0x4  }
0xd2: {  	s30 =	simm.s32 $0x0;
	(erf) = vrcp.f32 v8  }
0xd3: {  	v8 =	vmov s30  }
0xd4: {  	v8 =	vand.u32 $0x3F, v8  }
0xd5: {  	v8 =	vbroadcast v8, $0x0;
	_ =	sdelay $0x1  }
0xd6: {  	v9 =	vld [tilespmem:s21+$0x5140];
	v8 =	vor.u32 v4, v8;
	_ =	sdelay $0x3  }
0xd7: {  	s31 =	simm.s32 $0x1;
	v10 =	vpop (erf)  }
0xd8: {  	v11 =	vmov s31;
	s22 =	simm.s32 $0x2;
	v9 =	vmul.f32 v10, v9;
	v10 =	vld.idx.msk [tilespmem:v8+s8+$0x0], $0xffff  }
.LBB2_12:
0xd9: {  	p1 =	sne.s32 s22, $0x3F;
	v11 =	vand.u32 $0x3F, v11  }
0xda: {  	v11 =	vbroadcast v11, $0x0;
	_ =	sdelay $0x1  }
0xdb: {  	v12 =	vor.u32 v4, v11  }
.Ltmp5:
0xdc: {  	(pc) =	sbr.rel @p1 .LBB2_12-.Ltmp5, $3  }
0xdd: {  	v10 =	vmul.f32 v10, v9;
	_ =	sdelay $0x1  }
0xde: {  	[tilespmem:v8+s5+$0x0] =	vst.idx.msk $0xffff, v10;
	v8 =	vmov v12  }
0xdf: {  	v11 =	vmov s22;
	s22 =	sadd.s32 $0x1, s22;
	v10 =	vld.idx.msk [tilespmem:v12+s8+$0x0], $0xffff  }
0xe0: {  	v11 =	vand.u32 $0x3F, v11  }
0xe1: {  	v11 =	vbroadcast v11, $0x0;
	_ =	sdelay $0x1  }
0xe2: {  	v11 =	vor.u32 v4, v11;
	_ =	sdelay $0x1  }
0xe3: {  	v10 =	vmul.f32 v10, v9;
	_ =	sdelay $0x1  }
0xe4: {  	[tilespmem:v8+s5+$0x0] =	vst.idx.msk $0xffff, v10  }
0xe5: {  	v8 =	vld.idx.msk [tilespmem:v11+s8+$0x0], $0xffff;
	_ =	sdelay $0x4  }
0xe6: {  	v8 =	vmul.f32 v8, v9;
	_ =	sdelay $0x1  }
0xe7: {  	s22 =	sor.u32 $0x50, s21;
	[tilespmem:v11+s5+$0x0] =	vst.idx.msk $0xffff, v8  }
0xe8: {  	v8 =	vld [tilespmem:s22+$0x0];
	_ =	sdelay $0x4  }
0xe9: {  	v8 =	vshrl.u32 v8, $0xE;
	_ =	sdelay $0x3  }
0xea: {  	[tilespmem:$0x14B50] =	vst v8  }
0xeb: {  	v8 =	vld.idx.msk [tilespmem:v8+s13+$0x0], $0xffff;
	_ =	sdelay $0x4  }
0xec: {  	s30 =	simm.s32 $0x0;
	(erf) = vrcp.f32 v8  }
0xed: {  	v8 =	vmov s30  }
0xee: {  	v8 =	vand.u32 $0x3F, v8  }
0xef: {  	v8 =	vbroadcast v8, $0x0;
	_ =	sdelay $0x1  }
0xf0: {  	v9 =	vld [tilespmem:s21+$0x5150];
	v8 =	vor.u32 v5, v8;
	_ =	sdelay $0x3  }
0xf1: {  	s31 =	simm.s32 $0x1;
	v10 =	vpop (erf)  }
0xf2: {  	v11 =	vmov s31;
	s22 =	simm.s32 $0x2;
	v9 =	vmul.f32 v10, v9;
	v10 =	vld.idx.msk [tilespmem:v8+s8+$0x0], $0xffff  }
.LBB2_14:
0xf3: {  	p1 =	sne.s32 s22, $0x3F;
	v11 =	vand.u32 $0x3F, v11  }
0xf4: {  	v11 =	vbroadcast v11, $0x0;
	_ =	sdelay $0x1  }
0xf5: {  	v12 =	vor.u32 v5, v11  }
.Ltmp6:
0xf6: {  	(pc) =	sbr.rel @p1 .LBB2_14-.Ltmp6, $3  }
0xf7: {  	v10 =	vmul.f32 v10, v9;
	_ =	sdelay $0x1  }
0xf8: {  	[tilespmem:v8+s5+$0x0] =	vst.idx.msk $0xffff, v10;
	v8 =	vmov v12  }
0xf9: {  	v11 =	vmov s22;
	s22 =	sadd.s32 $0x1, s22;
	v10 =	vld.idx.msk [tilespmem:v12+s8+$0x0], $0xffff  }
0xfa: {  	v11 =	vand.u32 $0x3F, v11  }
0xfb: {  	v11 =	vbroadcast v11, $0x0;
	_ =	sdelay $0x1  }
0xfc: {  	v11 =	vor.u32 v5, v11;
	_ =	sdelay $0x1  }
0xfd: {  	v10 =	vmul.f32 v10, v9;
	_ =	sdelay $0x1  }
0xfe: {  	[tilespmem:v8+s5+$0x0] =	vst.idx.msk $0xffff, v10  }
0xff: {  	v8 =	vld.idx.msk [tilespmem:v11+s8+$0x0], $0xffff;
	_ =	sdelay $0x4  }
0x100: {  	v8 =	vmul.f32 v8, v9;
	_ =	sdelay $0x1  }
0x101: {  	s22 =	sor.u32 $0x60, s21;
	[tilespmem:v11+s5+$0x0] =	vst.idx.msk $0xffff, v8  }
0x102: {  	v8 =	vld [tilespmem:s22+$0x0];
	_ =	sdelay $0x4  }
0x103: {  	v8 =	vshrl.u32 v8, $0xE;
	_ =	sdelay $0x3  }
0x104: {  	[tilespmem:$0x14B60] =	vst v8  }
0x105: {  	v8 =	vld.idx.msk [tilespmem:v8+s13+$0x0], $0xffff;
	_ =	sdelay $0x4  }
0x106: {  	s30 =	simm.s32 $0x0;
	(erf) = vrcp.f32 v8  }
0x107: {  	v8 =	vmov s30  }
0x108: {  	v8 =	vand.u32 $0x3F, v8  }
0x109: {  	v8 =	vbroadcast v8, $0x0;
	_ =	sdelay $0x1  }
0x10a: {  	v9 =	vld [tilespmem:s21+$0x5160];
	v8 =	vor.u32 v6, v8;
	_ =	sdelay $0x3  }
0x10b: {  	s31 =	simm.s32 $0x1;
	v10 =	vpop (erf)  }
0x10c: {  	v11 =	vmov s31;
	s22 =	simm.s32 $0x2;
	v9 =	vmul.f32 v10, v9;
	v10 =	vld.idx.msk [tilespmem:v8+s8+$0x0], $0xffff  }
.LBB2_16:
0x10d: {  	p1 =	sne.s32 s22, $0x3F;
	v11 =	vand.u32 $0x3F, v11  }
0x10e: {  	v11 =	vbroadcast v11, $0x0;
	_ =	sdelay $0x1  }
0x10f: {  	v12 =	vor.u32 v6, v11  }
.Ltmp7:
0x110: {  	(pc) =	sbr.rel @p1 .LBB2_16-.Ltmp7, $3  }
0x111: {  	v10 =	vmul.f32 v10, v9;
	_ =	sdelay $0x1  }
0x112: {  	[tilespmem:v8+s5+$0x0] =	vst.idx.msk $0xffff, v10;
	v8 =	vmov v12  }
0x113: {  	v11 =	vmov s22;
	s22 =	sadd.s32 $0x1, s22;
	v10 =	vld.idx.msk [tilespmem:v12+s8+$0x0], $0xffff  }
0x114: {  	v11 =	vand.u32 $0x3F, v11  }
0x115: {  	v11 =	vbroadcast v11, $0x0;
	_ =	sdelay $0x1  }
0x116: {  	v11 =	vor.u32 v6, v11;
	_ =	sdelay $0x1  }
0x117: {  	v10 =	vmul.f32 v10, v9;
	_ =	sdelay $0x1  }
0x118: {  	[tilespmem:v8+s5+$0x0] =	vst.idx.msk $0xffff, v10  }
0x119: {  	v8 =	vld.idx.msk [tilespmem:v11+s8+$0x0], $0xffff;
	_ =	sdelay $0x4  }
0x11a: {  	v8 =	vmul.f32 v8, v9;
	_ =	sdelay $0x1  }
0x11b: {  	s22 =	sor.u32 $0x70, s21;
	[tilespmem:v11+s5+$0x0] =	vst.idx.msk $0xffff, v8  }
0x11c: {  	v8 =	vld [tilespmem:s22+$0x0];
	_ =	sdelay $0x4  }
0x11d: {  	v8 =	vshrl.u32 v8, $0xE;
	_ =	sdelay $0x3  }
0x11e: {  	[tilespmem:$0x14B70] =	vst v8  }
0x11f: {  	v8 =	vld.idx.msk [tilespmem:v8+s13+$0x0], $0xffff;
	_ =	sdelay $0x4  }
0x120: {  	s30 =	simm.s32 $0x0;
	(erf) = vrcp.f32 v8  }
0x121: {  	v8 =	vmov s30  }
0x122: {  	v8 =	vand.u32 $0x3F, v8  }
0x123: {  	v8 =	vbroadcast v8, $0x0;
	_ =	sdelay $0x1  }
0x124: {  	v9 =	vld [tilespmem:s21+$0x5170];
	v8 =	vor.u32 v7, v8;
	_ =	sdelay $0x3  }
0x125: {  	s31 =	simm.s32 $0x1;
	v10 =	vpop (erf)  }
0x126: {  	v11 =	vmov s31;
	s22 =	simm.s32 $0x2;
	v9 =	vmul.f32 v10, v9;
	v10 =	vld.idx.msk [tilespmem:v8+s8+$0x0], $0xffff  }
.LBB2_18:
0x127: {  	p1 =	sne.s32 s22, $0x3F;
	v11 =	vand.u32 $0x3F, v11  }
0x128: {  	v11 =	vbroadcast v11, $0x0;
	_ =	sdelay $0x1  }
0x129: {  	v12 =	vor.u32 v7, v11  }
.Ltmp8:
0x12a: {  	(pc) =	sbr.rel @p1 .LBB2_18-.Ltmp8, $3  }
0x12b: {  	v10 =	vmul.f32 v10, v9;
	_ =	sdelay $0x1  }
0x12c: {  	[tilespmem:v8+s5+$0x0] =	vst.idx.msk $0xffff, v10;
	v8 =	vmov v12  }
0x12d: {  	v11 =	vmov s22;
	s22 =	sadd.s32 $0x1, s22;
	v10 =	vld.idx.msk [tilespmem:v12+s8+$0x0], $0xffff  }
0x12e: {  	v11 =	vand.u32 $0x3F, v11  }
0x12f: {  	v11 =	vbroadcast v11, $0x0;
	_ =	sdelay $0x1  }
0x130: {  	v11 =	vor.u32 v7, v11;
	_ =	sdelay $0x1  }
0x131: {  	v10 =	vmul.f32 v10, v9;
	_ =	sdelay $0x1  }
0x132: {  	[tilespmem:v8+s5+$0x0] =	vst.idx.msk $0xffff, v10  }
0x133: {  	v8 =	vld.idx.msk [tilespmem:v11+s8+$0x0], $0xffff;
	_ =	sdelay $0x2  }
0x134: {  	p1 =	seq.s32 s19, $0x50  }
.Ltmp9:
0x135: {  	_ = 	snop;
	(pc) =	sbr.rel @!p1 .LBB2_20-.Ltmp9, $3  }
0x136: {  	v8 =	vmul.f32 v8, v9;
	_ =	sdelay $0x1  }
0x137: {  	[tilespmem:v11+s5+$0x0] =	vst.idx.msk $0xffff, v8  }
0x138: {  	[spmem:s2] =	stream.indirect.scatter.add.f32 [tilespmem:s5], [sflag:$0x3], $0x40, s14, s6, $0xb8;
	[tilespmem:$0x1EC00] =	vst v63  }
.Ltmp10:
0x139: {  	(pc) =	sbr.rel .LBB2_22-.Ltmp10, $4  }
0x13a: {  	_ = 	snop  }
0x13b: {  	_ =	swait.ge [sflag:s15], $0x2000  }
0x13c: {  	[sflag:s15] =	ssyncset.done $0x0  }
0x13d: {  	[sflag:s15] =	ssyncadd.s32 $0xFFFFE000  }
.LBB2_20:
0x13e: {  	s21 =	sand.u32 $0x3FFFFF00, s21  }
0x13f: {  	v8 =	vld [tilespmem:s21+$0x100];
	_ =	sdelay $0x4  }
0x140: {  	v8 =	vand.u32 $0x3FFF, v8  }
0x141: {  	[tilespmem:$0x14A00] =	vst v8  }
0x142: {  	v8 =	vld [tilespmem:s21+$0x110];
	_ =	sdelay $0x4  }
0x143: {  	v8 =	vand.u32 $0x3FFF, v8  }
0x144: {  	[tilespmem:$0x14A10] =	vst v8  }
0x145: {  	v8 =	vld [tilespmem:s21+$0x120];
	_ =	sdelay $0x4  }
0x146: {  	v8 =	vand.u32 $0x3FFF, v8  }
0x147: {  	[tilespmem:$0x14A20] =	vst v8  }
0x148: {  	v8 =	vld [tilespmem:s21+$0x130];
	_ =	sdelay $0x4  }
0x149: {  	v8 =	vand.u32 $0x3FFF, v8  }
0x14a: {  	[tilespmem:$0x14A30] =	vst v8  }
0x14b: {  	v8 =	vld [tilespmem:s21+$0x140];
	_ =	sdelay $0x4  }
0x14c: {  	v8 =	vand.u32 $0x3FFF, v8  }
0x14d: {  	[tilespmem:$0x14A40] =	vst v8  }
0x14e: {  	v8 =	vld [tilespmem:s21+$0x150];
	_ =	sdelay $0x4  }
0x14f: {  	v8 =	vand.u32 $0x3FFF, v8  }
0x150: {  	[tilespmem:$0x14A50] =	vst v8  }
0x151: {  	v8 =	vld [tilespmem:s21+$0x160];
	_ =	sdelay $0x4  }
0x152: {  	v8 =	vand.u32 $0x3FFF, v8  }
0x153: {  	[tilespmem:$0x14A60] =	vst v8  }
0x154: {  	v8 =	vld [tilespmem:s21+$0x170];
	_ =	sdelay $0x4  }
0x155: {  	v8 =	vand.u32 $0x3FFF, v8  }
.Ltmp11:
0x156: {  	[tilespmem:$0x14A70] =	vst v8;
	(pc) =	sbr.rel @p0 .LBB2_23-.Ltmp11, $4  }
0x157: {  	[tilespmem:s8], [sflag:$0x1] =	stream.indirect.gather [hbm4b:s4+s6], $0x40, s7, s6, $0xb8;
	[tilespmem:$0x1EC00] =	vst v63  }
0x158: {  	_ =	swait.ge [sflag:s15], $0x2000  }
0x159: {  	[sflag:s15] =	ssyncset.done $0x0  }
0x15a: {  	[sflag:s15] =	ssyncadd.s32 $0xFFFFE000  }
.LBB2_22:
0x15b: {  	_ =	swait.ge [sflag:s16], $0x2000  }
0x15c: {  	[sflag:s16] =	ssyncset.done $0x0  }
0x15d: {  	[sflag:s16] =	ssyncadd.s32 $0xFFFFE000  }
.LBB2_23:
0x15e: {  	v8 =	vld [tilespmem:s20+$0x0];
	_ =	sdelay $0x4  }
0x15f: {  	v8 =	vshrl.u32 v8, $0xE;
	_ =	sdelay $0x3  }
0x160: {  	[tilespmem:$0x14B80] =	vst v8  }
0x161: {  	v8 =	vld.idx.msk [tilespmem:v8+s13+$0x0], $0xffff;
	_ =	sdelay $0x4  }
0x162: {  	s21 =	simm.s32 $0x0;
	(erf) = vrcp.f32 v8  }
0x163: {  	v8 =	vmov s21  }
0x164: {  	v8 =	vand.u32 $0x3F, v8  }
0x165: {  	v8 =	vbroadcast v8, $0x0;
	_ =	sdelay $0x1  }
0x166: {  	v9 =	vld [tilespmem:s20+$0x5100];
	v8 =	vor.u32 v0, v8;
	_ =	sdelay $0x3  }
0x167: {  	s31 =	simm.s32 $0x1;
	v10 =	vpop (erf)  }
0x168: {  	v11 =	vmov s31;
	s21 =	simm.s32 $0x2;
	v9 =	vmul.f32 v10, v9;
	v10 =	vld.idx.msk [tilespmem:v8+s11+$0x0], $0xffff  }
.LBB2_24:
0x169: {  	p0 =	sne.s32 s21, $0x3F;
	v11 =	vand.u32 $0x3F, v11  }
0x16a: {  	v11 =	vbroadcast v11, $0x0;
	_ =	sdelay $0x1  }
0x16b: {  	v12 =	vor.u32 v0, v11  }
.Ltmp12:
0x16c: {  	(pc) =	sbr.rel @p0 .LBB2_24-.Ltmp12, $3  }
0x16d: {  	v10 =	vmul.f32 v10, v9;
	_ =	sdelay $0x1  }
0x16e: {  	[tilespmem:v8+s17+$0x0] =	vst.idx.msk $0xffff, v10;
	v8 =	vmov v12  }
0x16f: {  	v11 =	vmov s21;
	s21 =	sadd.s32 $0x1, s21;
	v10 =	vld.idx.msk [tilespmem:v12+s11+$0x0], $0xffff  }
0x170: {  	v11 =	vand.u32 $0x3F, v11  }
0x171: {  	v11 =	vbroadcast v11, $0x0;
	_ =	sdelay $0x1  }
0x172: {  	v11 =	vor.u32 v0, v11;
	_ =	sdelay $0x1  }
0x173: {  	v10 =	vmul.f32 v10, v9;
	_ =	sdelay $0x1  }
0x174: {  	[tilespmem:v8+s17+$0x0] =	vst.idx.msk $0xffff, v10  }
0x175: {  	v8 =	vld.idx.msk [tilespmem:v11+s11+$0x0], $0xffff;
	_ =	sdelay $0x4  }
0x176: {  	v8 =	vmul.f32 v8, v9;
	_ =	sdelay $0x1  }
0x177: {  	s21 =	sor.u32 $0x10, s20;
	[tilespmem:v11+s17+$0x0] =	vst.idx.msk $0xffff, v8  }
0x178: {  	v8 =	vld [tilespmem:s21+$0x0];
	_ =	sdelay $0x4  }
0x179: {  	v8 =	vshrl.u32 v8, $0xE;
	_ =	sdelay $0x3  }
0x17a: {  	[tilespmem:$0x14B90] =	vst v8  }
0x17b: {  	v8 =	vld.idx.msk [tilespmem:v8+s13+$0x0], $0xffff;
	_ =	sdelay $0x4  }
0x17c: {  	s30 =	simm.s32 $0x0;
	(erf) = vrcp.f32 v8  }
0x17d: {  	v8 =	vmov s30  }
0x17e: {  	v8 =	vand.u32 $0x3F, v8  }
0x17f: {  	v8 =	vbroadcast v8, $0x0;
	_ =	sdelay $0x1  }
0x180: {  	v9 =	vld [tilespmem:s20+$0x5110];
	v8 =	vor.u32 v1, v8;
	_ =	sdelay $0x3  }
0x181: {  	s31 =	simm.s32 $0x1;
	v10 =	vpop (erf)  }
0x182: {  	v11 =	vmov s31;
	s21 =	simm.s32 $0x2;
	v9 =	vmul.f32 v10, v9;
	v10 =	vld.idx.msk [tilespmem:v8+s11+$0x0], $0xffff  }
.LBB2_26:
0x183: {  	p0 =	sne.s32 s21, $0x3F;
	v11 =	vand.u32 $0x3F, v11  }
0x184: {  	v11 =	vbroadcast v11, $0x0;
	_ =	sdelay $0x1  }
0x185: {  	v12 =	vor.u32 v1, v11  }
.Ltmp13:
0x186: {  	(pc) =	sbr.rel @p0 .LBB2_26-.Ltmp13, $3  }
0x187: {  	v10 =	vmul.f32 v10, v9;
	_ =	sdelay $0x1  }
0x188: {  	[tilespmem:v8+s17+$0x0] =	vst.idx.msk $0xffff, v10;
	v8 =	vmov v12  }
0x189: {  	v11 =	vmov s21;
	s21 =	sadd.s32 $0x1, s21;
	v10 =	vld.idx.msk [tilespmem:v12+s11+$0x0], $0xffff  }
0x18a: {  	v11 =	vand.u32 $0x3F, v11  }
0x18b: {  	v11 =	vbroadcast v11, $0x0;
	_ =	sdelay $0x1  }
0x18c: {  	v11 =	vor.u32 v1, v11;
	_ =	sdelay $0x1  }
0x18d: {  	v10 =	vmul.f32 v10, v9;
	_ =	sdelay $0x1  }
0x18e: {  	[tilespmem:v8+s17+$0x0] =	vst.idx.msk $0xffff, v10  }
0x18f: {  	v8 =	vld.idx.msk [tilespmem:v11+s11+$0x0], $0xffff;
	_ =	sdelay $0x4  }
0x190: {  	v8 =	vmul.f32 v8, v9;
	_ =	sdelay $0x1  }
0x191: {  	s21 =	sor.u32 $0x20, s20;
	[tilespmem:v11+s17+$0x0] =	vst.idx.msk $0xffff, v8  }
0x192: {  	v8 =	vld [tilespmem:s21+$0x0];
	_ =	sdelay $0x4  }
0x193: {  	v8 =	vshrl.u32 v8, $0xE;
	_ =	sdelay $0x3  }
0x194: {  	[tilespmem:$0x14BA0] =	vst v8  }
0x195: {  	v8 =	vld.idx.msk [tilespmem:v8+s13+$0x0], $0xffff;
	_ =	sdelay $0x4  }
0x196: {  	s30 =	simm.s32 $0x0;
	(erf) = vrcp.f32 v8  }
0x197: {  	v8 =	vmov s30  }
0x198: {  	v8 =	vand.u32 $0x3F, v8  }
0x199: {  	v8 =	vbroadcast v8, $0x0;
	_ =	sdelay $0x1  }
0x19a: {  	v9 =	vld [tilespmem:s20+$0x5120];
	v8 =	vor.u32 v2, v8;
	_ =	sdelay $0x3  }
0x19b: {  	s31 =	simm.s32 $0x1;
	v10 =	vpop (erf)  }
0x19c: {  	v11 =	vmov s31;
	s21 =	simm.s32 $0x2;
	v9 =	vmul.f32 v10, v9;
	v10 =	vld.idx.msk [tilespmem:v8+s11+$0x0], $0xffff  }
.LBB2_28:
0x19d: {  	p0 =	sne.s32 s21, $0x3F;
	v11 =	vand.u32 $0x3F, v11  }
0x19e: {  	v11 =	vbroadcast v11, $0x0;
	_ =	sdelay $0x1  }
0x19f: {  	v12 =	vor.u32 v2, v11  }
.Ltmp14:
0x1a0: {  	(pc) =	sbr.rel @p0 .LBB2_28-.Ltmp14, $3  }
0x1a1: {  	v10 =	vmul.f32 v10, v9;
	_ =	sdelay $0x1  }
0x1a2: {  	[tilespmem:v8+s17+$0x0] =	vst.idx.msk $0xffff, v10;
	v8 =	vmov v12  }
0x1a3: {  	v11 =	vmov s21;
	s21 =	sadd.s32 $0x1, s21;
	v10 =	vld.idx.msk [tilespmem:v12+s11+$0x0], $0xffff  }
0x1a4: {  	v11 =	vand.u32 $0x3F, v11  }
0x1a5: {  	v11 =	vbroadcast v11, $0x0;
	_ =	sdelay $0x1  }
0x1a6: {  	v11 =	vor.u32 v2, v11;
	_ =	sdelay $0x1  }
0x1a7: {  	v10 =	vmul.f32 v10, v9;
	_ =	sdelay $0x1  }
0x1a8: {  	[tilespmem:v8+s17+$0x0] =	vst.idx.msk $0xffff, v10  }
0x1a9: {  	v8 =	vld.idx.msk [tilespmem:v11+s11+$0x0], $0xffff;
	_ =	sdelay $0x4  }
0x1aa: {  	v8 =	vmul.f32 v8, v9;
	_ =	sdelay $0x1  }
0x1ab: {  	s21 =	sor.u32 $0x30, s20;
	[tilespmem:v11+s17+$0x0] =	vst.idx.msk $0xffff, v8  }
0x1ac: {  	v8 =	vld [tilespmem:s21+$0x0];
	_ =	sdelay $0x4  }
0x1ad: {  	v8 =	vshrl.u32 v8, $0xE;
	_ =	sdelay $0x3  }
0x1ae: {  	[tilespmem:$0x14BB0] =	vst v8  }
0x1af: {  	v8 =	vld.idx.msk [tilespmem:v8+s13+$0x0], $0xffff;
	_ =	sdelay $0x4  }
0x1b0: {  	s30 =	simm.s32 $0x0;
	(erf) = vrcp.f32 v8  }
0x1b1: {  	v8 =	vmov s30  }
0x1b2: {  	v8 =	vand.u32 $0x3F, v8  }
0x1b3: {  	v8 =	vbroadcast v8, $0x0;
	_ =	sdelay $0x1  }
0x1b4: {  	v9 =	vld [tilespmem:s20+$0x5130];
	v8 =	vor.u32 v3, v8;
	_ =	sdelay $0x3  }
0x1b5: {  	s31 =	simm.s32 $0x1;
	v10 =	vpop (erf)  }
0x1b6: {  	v11 =	vmov s31;
	s21 =	simm.s32 $0x2;
	v9 =	vmul.f32 v10, v9;
	v10 =	vld.idx.msk [tilespmem:v8+s11+$0x0], $0xffff  }
.LBB2_30:
0x1b7: {  	p0 =	sne.s32 s21, $0x3F;
	v11 =	vand.u32 $0x3F, v11  }
0x1b8: {  	v11 =	vbroadcast v11, $0x0;
	_ =	sdelay $0x1  }
0x1b9: {  	v12 =	vor.u32 v3, v11  }
.Ltmp15:
0x1ba: {  	(pc) =	sbr.rel @p0 .LBB2_30-.Ltmp15, $3  }
0x1bb: {  	v10 =	vmul.f32 v10, v9;
	_ =	sdelay $0x1  }
0x1bc: {  	[tilespmem:v8+s17+$0x0] =	vst.idx.msk $0xffff, v10;
	v8 =	vmov v12  }
0x1bd: {  	v11 =	vmov s21;
	s21 =	sadd.s32 $0x1, s21;
	v10 =	vld.idx.msk [tilespmem:v12+s11+$0x0], $0xffff  }
0x1be: {  	v11 =	vand.u32 $0x3F, v11  }
0x1bf: {  	v11 =	vbroadcast v11, $0x0;
	_ =	sdelay $0x1  }
0x1c0: {  	v11 =	vor.u32 v3, v11;
	_ =	sdelay $0x1  }
0x1c1: {  	v10 =	vmul.f32 v10, v9;
	_ =	sdelay $0x1  }
0x1c2: {  	[tilespmem:v8+s17+$0x0] =	vst.idx.msk $0xffff, v10  }
0x1c3: {  	v8 =	vld.idx.msk [tilespmem:v11+s11+$0x0], $0xffff;
	_ =	sdelay $0x4  }
0x1c4: {  	v8 =	vmul.f32 v8, v9;
	_ =	sdelay $0x1  }
0x1c5: {  	s21 =	sor.u32 $0x40, s20;
	[tilespmem:v11+s17+$0x0] =	vst.idx.msk $0xffff, v8  }
0x1c6: {  	v8 =	vld [tilespmem:s21+$0x0];
	_ =	sdelay $0x4  }
0x1c7: {  	v8 =	vshrl.u32 v8, $0xE;
	_ =	sdelay $0x3  }
0x1c8: {  	[tilespmem:$0x14BC0] =	vst v8  }
0x1c9: {  	v8 =	vld.idx.msk [tilespmem:v8+s13+$0x0], $0xffff;
	_ =	sdelay $0x4  }
0x1ca: {  	s30 =	simm.s32 $0x0;
	(erf) = vrcp.f32 v8  }
0x1cb: {  	v8 =	vmov s30  }
0x1cc: {  	v8 =	vand.u32 $0x3F, v8  }
0x1cd: {  	v8 =	vbroadcast v8, $0x0;
	_ =	sdelay $0x1  }
0x1ce: {  	v9 =	vld [tilespmem:s20+$0x5140];
	v8 =	vor.u32 v4, v8;
	_ =	sdelay $0x3  }
0x1cf: {  	s31 =	simm.s32 $0x1;
	v10 =	vpop (erf)  }
0x1d0: {  	v11 =	vmov s31;
	s21 =	simm.s32 $0x2;
	v9 =	vmul.f32 v10, v9;
	v10 =	vld.idx.msk [tilespmem:v8+s11+$0x0], $0xffff  }
.LBB2_32:
0x1d1: {  	p0 =	sne.s32 s21, $0x3F;
	v11 =	vand.u32 $0x3F, v11  }
0x1d2: {  	v11 =	vbroadcast v11, $0x0;
	_ =	sdelay $0x1  }
0x1d3: {  	v12 =	vor.u32 v4, v11  }
.Ltmp16:
0x1d4: {  	(pc) =	sbr.rel @p0 .LBB2_32-.Ltmp16, $3  }
0x1d5: {  	v10 =	vmul.f32 v10, v9;
	_ =	sdelay $0x1  }
0x1d6: {  	[tilespmem:v8+s17+$0x0] =	vst.idx.msk $0xffff, v10;
	v8 =	vmov v12  }
0x1d7: {  	v11 =	vmov s21;
	s21 =	sadd.s32 $0x1, s21;
	v10 =	vld.idx.msk [tilespmem:v12+s11+$0x0], $0xffff  }
0x1d8: {  	v11 =	vand.u32 $0x3F, v11  }
0x1d9: {  	v11 =	vbroadcast v11, $0x0;
	_ =	sdelay $0x1  }
0x1da: {  	v11 =	vor.u32 v4, v11;
	_ =	sdelay $0x1  }
0x1db: {  	v10 =	vmul.f32 v10, v9;
	_ =	sdelay $0x1  }
0x1dc: {  	[tilespmem:v8+s17+$0x0] =	vst.idx.msk $0xffff, v10  }
0x1dd: {  	v8 =	vld.idx.msk [tilespmem:v11+s11+$0x0], $0xffff;
	_ =	sdelay $0x4  }
0x1de: {  	v8 =	vmul.f32 v8, v9;
	_ =	sdelay $0x1  }
0x1df: {  	s21 =	sor.u32 $0x50, s20;
	[tilespmem:v11+s17+$0x0] =	vst.idx.msk $0xffff, v8  }
0x1e0: {  	v8 =	vld [tilespmem:s21+$0x0];
	_ =	sdelay $0x4  }
0x1e1: {  	v8 =	vshrl.u32 v8, $0xE;
	_ =	sdelay $0x3  }
0x1e2: {  	[tilespmem:$0x14BD0] =	vst v8  }
0x1e3: {  	v8 =	vld.idx.msk [tilespmem:v8+s13+$0x0], $0xffff;
	_ =	sdelay $0x4  }
0x1e4: {  	s30 =	simm.s32 $0x0;
	(erf) = vrcp.f32 v8  }
0x1e5: {  	v8 =	vmov s30  }
0x1e6: {  	v8 =	vand.u32 $0x3F, v8  }
0x1e7: {  	v8 =	vbroadcast v8, $0x0;
	_ =	sdelay $0x1  }
0x1e8: {  	v9 =	vld [tilespmem:s20+$0x5150];
	v8 =	vor.u32 v5, v8;
	_ =	sdelay $0x3  }
0x1e9: {  	s31 =	simm.s32 $0x1;
	v10 =	vpop (erf)  }
0x1ea: {  	v11 =	vmov s31;
	s21 =	simm.s32 $0x2;
	v9 =	vmul.f32 v10, v9;
	v10 =	vld.idx.msk [tilespmem:v8+s11+$0x0], $0xffff  }
.LBB2_34:
0x1eb: {  	p0 =	sne.s32 s21, $0x3F;
	v11 =	vand.u32 $0x3F, v11  }
0x1ec: {  	v11 =	vbroadcast v11, $0x0;
	_ =	sdelay $0x1  }
0x1ed: {  	v12 =	vor.u32 v5, v11  }
.Ltmp17:
0x1ee: {  	(pc) =	sbr.rel @p0 .LBB2_34-.Ltmp17, $3  }
0x1ef: {  	v10 =	vmul.f32 v10, v9;
	_ =	sdelay $0x1  }
0x1f0: {  	[tilespmem:v8+s17+$0x0] =	vst.idx.msk $0xffff, v10;
	v8 =	vmov v12  }
0x1f1: {  	v11 =	vmov s21;
	s21 =	sadd.s32 $0x1, s21;
	v10 =	vld.idx.msk [tilespmem:v12+s11+$0x0], $0xffff  }
0x1f2: {  	v11 =	vand.u32 $0x3F, v11  }
0x1f3: {  	v11 =	vbroadcast v11, $0x0;
	_ =	sdelay $0x1  }
0x1f4: {  	v11 =	vor.u32 v5, v11;
	_ =	sdelay $0x1  }
0x1f5: {  	v10 =	vmul.f32 v10, v9;
	_ =	sdelay $0x1  }
0x1f6: {  	[tilespmem:v8+s17+$0x0] =	vst.idx.msk $0xffff, v10  }
0x1f7: {  	v8 =	vld.idx.msk [tilespmem:v11+s11+$0x0], $0xffff;
	_ =	sdelay $0x4  }
0x1f8: {  	v8 =	vmul.f32 v8, v9;
	_ =	sdelay $0x1  }
0x1f9: {  	s21 =	sor.u32 $0x60, s20;
	[tilespmem:v11+s17+$0x0] =	vst.idx.msk $0xffff, v8  }
0x1fa: {  	v8 =	vld [tilespmem:s21+$0x0];
	_ =	sdelay $0x4  }
0x1fb: {  	v8 =	vshrl.u32 v8, $0xE;
	_ =	sdelay $0x3  }
0x1fc: {  	[tilespmem:$0x14BE0] =	vst v8  }
0x1fd: {  	v8 =	vld.idx.msk [tilespmem:v8+s13+$0x0], $0xffff;
	_ =	sdelay $0x4  }
0x1fe: {  	s30 =	simm.s32 $0x0;
	(erf) = vrcp.f32 v8  }
0x1ff: {  	v8 =	vmov s30  }
0x200: {  	v8 =	vand.u32 $0x3F, v8  }
0x201: {  	v8 =	vbroadcast v8, $0x0;
	_ =	sdelay $0x1  }
0x202: {  	v9 =	vld [tilespmem:s20+$0x5160];
	v8 =	vor.u32 v6, v8;
	_ =	sdelay $0x3  }
0x203: {  	s31 =	simm.s32 $0x1;
	v10 =	vpop (erf)  }
0x204: {  	v11 =	vmov s31;
	s21 =	simm.s32 $0x2;
	v9 =	vmul.f32 v10, v9;
	v10 =	vld.idx.msk [tilespmem:v8+s11+$0x0], $0xffff  }
.LBB2_36:
0x205: {  	p0 =	sne.s32 s21, $0x3F;
	v11 =	vand.u32 $0x3F, v11  }
0x206: {  	v11 =	vbroadcast v11, $0x0;
	_ =	sdelay $0x1  }
0x207: {  	v12 =	vor.u32 v6, v11  }
.Ltmp18:
0x208: {  	(pc) =	sbr.rel @p0 .LBB2_36-.Ltmp18, $3  }
0x209: {  	v10 =	vmul.f32 v10, v9;
	_ =	sdelay $0x1  }
0x20a: {  	[tilespmem:v8+s17+$0x0] =	vst.idx.msk $0xffff, v10;
	v8 =	vmov v12  }
0x20b: {  	v11 =	vmov s21;
	s21 =	sadd.s32 $0x1, s21;
	v10 =	vld.idx.msk [tilespmem:v12+s11+$0x0], $0xffff  }
0x20c: {  	v11 =	vand.u32 $0x3F, v11  }
0x20d: {  	v11 =	vbroadcast v11, $0x0;
	_ =	sdelay $0x1  }
0x20e: {  	v11 =	vor.u32 v6, v11;
	_ =	sdelay $0x1  }
0x20f: {  	v10 =	vmul.f32 v10, v9;
	_ =	sdelay $0x1  }
0x210: {  	[tilespmem:v8+s17+$0x0] =	vst.idx.msk $0xffff, v10  }
0x211: {  	v8 =	vld.idx.msk [tilespmem:v11+s11+$0x0], $0xffff;
	_ =	sdelay $0x4  }
0x212: {  	v8 =	vmul.f32 v8, v9;
	_ =	sdelay $0x1  }
0x213: {  	s21 =	sor.u32 $0x70, s20;
	[tilespmem:v11+s17+$0x0] =	vst.idx.msk $0xffff, v8  }
0x214: {  	v8 =	vld [tilespmem:s21+$0x0];
	_ =	sdelay $0x4  }
0x215: {  	v8 =	vshrl.u32 v8, $0xE;
	_ =	sdelay $0x3  }
0x216: {  	[tilespmem:$0x14BF0] =	vst v8  }
0x217: {  	v8 =	vld.idx.msk [tilespmem:v8+s13+$0x0], $0xffff;
	_ =	sdelay $0x4  }
0x218: {  	s30 =	simm.s32 $0x0;
	(erf) = vrcp.f32 v8  }
0x219: {  	v8 =	vmov s30  }
0x21a: {  	v8 =	vand.u32 $0x3F, v8  }
0x21b: {  	v8 =	vbroadcast v8, $0x0;
	_ =	sdelay $0x1  }
0x21c: {  	v9 =	vld [tilespmem:s20+$0x5170];
	v8 =	vor.u32 v7, v8;
	_ =	sdelay $0x3  }
0x21d: {  	s31 =	simm.s32 $0x1;
	v10 =	vpop (erf)  }
0x21e: {  	v11 =	vmov s31;
	s20 =	simm.s32 $0x2;
	v9 =	vmul.f32 v10, v9;
	v10 =	vld.idx.msk [tilespmem:v8+s11+$0x0], $0xffff  }
.LBB2_38:
0x21f: {  	p0 =	sne.s32 s20, $0x3F;
	v11 =	vand.u32 $0x3F, v11  }
0x220: {  	v11 =	vbroadcast v11, $0x0;
	_ =	sdelay $0x1  }
0x221: {  	v12 =	vor.u32 v7, v11  }
.Ltmp19:
0x222: {  	(pc) =	sbr.rel @p0 .LBB2_38-.Ltmp19, $3  }
0x223: {  	v10 =	vmul.f32 v10, v9;
	_ =	sdelay $0x1  }
0x224: {  	[tilespmem:v8+s17+$0x0] =	vst.idx.msk $0xffff, v10;
	v8 =	vmov v12  }
0x225: {  	v11 =	vmov s20;
	s20 =	sadd.s32 $0x1, s20;
	v10 =	vld.idx.msk [tilespmem:v12+s11+$0x0], $0xffff  }
0x226: {  	v11 =	vand.u32 $0x3F, v11  }
0x227: {  	v11 =	vbroadcast v11, $0x0;
	_ =	sdelay $0x1  }
0x228: {  	v11 =	vor.u32 v7, v11;
	_ =	sdelay $0x1  }
0x229: {  	v10 =	vmul.f32 v10, v9;
	_ =	sdelay $0x1  }
0x22a: {  	[tilespmem:v8+s17+$0x0] =	vst.idx.msk $0xffff, v10  }
0x22b: {  	v8 =	vld.idx.msk [tilespmem:v11+s11+$0x0], $0xffff;
	_ =	sdelay $0x1  }
0x22c: {  	s19 =	sadd.s32 $0x1, s19  }
0x22d: {  	p0 =	sne.s32 s19, $0x51  }
.Ltmp20:
0x22e: {  	_ = 	snop;
	(pc) =	sbr.rel @p0 .LBB2_3-.Ltmp20, $3  }
0x22f: {  	v8 =	vmul.f32 v8, v9;
	_ =	sdelay $0x1  }
0x230: {  	[tilespmem:v11+s17+$0x0] =	vst.idx.msk $0xffff, v8  }
0x231: {  	[spmem:s2] =	stream.indirect.scatter.add.f32 [tilespmem:s17], [sflag:$0x4], $0x40, s18, s6, $0xb8;
	[tilespmem:$0x1EC00] =	vst v63  }
0x232: {  	s4 =	simm.s32 $0x3  }
0x233: {  	_ =	swait.ge [sflag:s4], $0x2000  }
0x234: {  	[sflag:s4] =	ssyncset.done $0x0  }
0x235: {  	s5 =	smul.u32 $0xA000, s0;
	s29 =	simm.s32 $0x4;
	[sflag:s4] =	ssyncadd.s32 $0xFFFFE000  }
0x236: {  	s30 =	sshll.u32 s0, $0x6;
	_ =	swait.ge [sflag:s29], $0x2000  }
0x237: {  	s31 =	simm.s32 $0x5;
	s6 =	sshrl.u32 s5, $0x3;
	[sflag:s29] =	ssyncset.done $0x0  }
0x238: {  	s2 =	sadd.s32 s5, s2;
	s3 =	sadd.s32 s3, s6;
	[sflag:s29] =	ssyncadd.s32 $0xFFFFE000  }
0x239: {  	s4 =	sor.u32 $0x1C05, s30;
	s2 =	sshrl.u32 s2, $0x3;
	[bflag:$0x0] =	sbarrier.arrive $0xFFFF  }
0x23a: {  	[hbm:s3], [sflag:s4] =	dma.local [spmem:s2], $0x1400  }
0x23b: {  	_ =	swait.ge [sflag:s31], $0x1400  }
0x23c: {  	[sflag:s31] =	ssyncset.done $0x0  }
0x23d: {  	[sflag:s31] =	ssyncadd.s32 $0xFFFFEC00  }
0x23e: {  	_ =	sfence.sel $0x180000  }
0x23f: {  	[bflag:$0x0] =	sbarrier.arrive $0xFFFF  }
0x240: {  	p0 =	sne.s32 s0, $0x0;
	_ =	strace $0x9000004A  }
0x241: {  	s0 =	sadd.s32 @!p0 $0x100000, s1;
	[bflag:$0x2] =	sbarrier.arrive $0xFFFF  }
0x242: {  	[sflag:s0] =	ssyncadd.tile.s32 @!p0 $0x1;
	_ =	shalt  }
.Lfunc_end2:
_tile_overlayer_lowered:
.L_overlay_start_2:
0x243: {  	(tag) =	ssettag $0x2  }
0x244: {  	s0 =	rddreg [dreg:$0x0];
	s2 =	stileid.u32  }
0x245: {  	s1 =	rddreg [dreg:$0x1];
	p0 =	sne.s32 s2, $0x0  }
0x246: {  	s3 =	rddreg [dreg:$0x2];
	[bflag:$0x3] =	sbarrier.arrive $0xFFFF;
	s2 =	simm.s32 @!p0 $0x1C05  }
0x247: {  	[timem:s3], [sflag:s2] =	dma.local @!p0 [hbm:s0], s1  }
0x248: {  	s0 =	simm.s32 @!p0 $0x5  }
0x249: {  	_ =	swait.ge @!p0 [sflag:s0], s1  }
0x24a: {  	s1 =	ssub.s32 @!p0 $0x0, s1;
	[sflag:s0] =	ssyncset.done @!p0 $0x0  }
0x24b: {  	[sflag:s0] =	ssyncadd.s32 @!p0 s1  }
0x24c: {  	[bflag:$0x3] =	sbarrier.arrive $0xFFFF  }
0x24d: {  	_ =	shalt  }

</sc_bundles>
